<compile_context>
chip_gen: v7x
topology: tpu7x:2x2x1
jax: 0.10.2.dev20260603
libtpu: 0.0.44.dev20260713+nightly
codegen_flags: <defaults>
</compile_context>

<pallas_src>
import functools

import jax
import jax.numpy as jnp
from jax import lax
from jax.experimental import pallas as pl
from jax.experimental.pallas import tpu as pltpu
from jax.experimental.pallas import tpu_sc as plsc

_NBUF = 8


@functools.cache
def _make_gather(B: int, H: int, V: int, D: int):
    info = plsc.get_sparse_core_info()
    nc, ns, L = info.num_cores, info.num_subcores, info.num_lanes
    nw = nc * ns
    BT = B // 128
    bt_w = BT // nw
    HP = (H + 7) // 8 * 8
    n_blocks = H * bt_w
    nbuf = _NBUF
    n_steps = n_blocks // nbuf
    assert n_blocks % nbuf == 0
    mesh = plsc.VectorSubcoreMesh(core_axis_name="c", subcore_axis_name="s")

    @functools.partial(
        pl.kernel,
        mesh=mesh,
        out_type=jax.ShapeDtypeStruct((B, HP // 8, 8, 128), jnp.float32),
        scratch_types=[
            pltpu.VMEM((HP // 8, bt_w, 8, 128), jnp.int32),
            [pltpu.VMEM((128, D), jnp.float32) for _ in range(nbuf)],
            [pltpu.SemaphoreType.DMA for _ in range(nbuf)],
            [pltpu.SemaphoreType.DMA for _ in range(nbuf)],
        ],
        compiler_params=pltpu.CompilerParams(
            use_tc_tiling_on_sc=False, needs_layout_passes=False
        ),
    )
    def gather_kernel(table_hbm, idx_hbm, out_hbm, slab, rows, sem_g, sem_o):
        wid = lax.axis_index("s") * nc + lax.axis_index("c")
        bt0 = wid * bt_w
        pltpu.sync_copy(idx_hbm.at[:, pl.ds(bt0, bt_w)], slab)

        def block_jbt(q):
            j = q // bt_w
            return j, q - j * bt_w

        def gather(q, b):
            j, btl = block_jbt(q)
            pltpu.async_copy(
                table_hbm.at[slab.at[j // 8, btl, j % 8]], rows[b], sem_g[b]
            )

        def wait_gather(b):
            pltpu.make_async_copy(
                table_hbm.at[slab.at[0, 0, 0]], rows[b], sem_g[b]
            ).wait()

        def writeout(q, b):
            j, btl = block_jbt(q)
            pltpu.async_copy(
                rows[b],
                out_hbm.at[pl.ds((bt0 + btl) * 128, 128), j // 8, j % 8,
                           pl.ds(0, D)],
                sem_o[b],
            )

        def wait_out(b):
            pltpu.make_async_copy(
                rows[b],
                out_hbm.at[pl.ds(0, 128), 0, 0, pl.ds(0, D)],
                sem_o[b],
            ).wait()

        gather(0, 0)

        def body(s, carry):
            for b in range(nbuf):
                q = s * nbuf + b
                bn = (b + 1) % nbuf

                @pl.when(q + 1 < n_blocks)
                def _():
                    @pl.when(q >= nbuf - 1)
                    def _():
                        wait_out(bn)

                    gather(q + 1, bn)

                wait_gather(b)
                writeout(q, b)
            return carry

        lax.fori_loop(0, n_steps, body, 0)
        for b in range(nbuf):
            wait_out(b)

    return gather_kernel


def kernel(inputs, table):
    b, h = inputs.shape
    v, d = table.shape
    hp = (h + 7) // 8 * 8
    idx4 = (
        jnp.pad(inputs.astype(jnp.int32), ((0, 0), (0, -h % 8)))
        .reshape(b // 128, 128, hp // 8, 8)
        .transpose(2, 0, 3, 1)
    )
    out4 = _make_gather(b, h, v, d)(table, idx4)
    return out4.reshape(b, hp, 128)[:, :h, :d]

# --- scband reference (transcript-rebuilt; emitter-appended) ---
"""Pipeline reference for scband-embedding-81011673137834 (READ-ONLY COPY).

The authoritative reference and input builder live on the scoring server;
editing this copy changes nothing except your own understanding.
"""

import jax, jax.numpy as jnp
import numpy as np

NUM_EMBEDDING = 1000000
EMBEDDING_DIM = 64
BATCH = 16384
HIST_LEN = 50

def setup_inputs(seed: int = 0) -> dict:
    key = jax.random.key(seed)
    k1, k2 = jax.random.split(key)
    inputs = jax.random.randint(k1, (BATCH, HIST_LEN), 0, NUM_EMBEDDING)
    table = jax.random.normal(k2, (NUM_EMBEDDING, EMBEDDING_DIM), dtype=jnp.float32)
    # padding_idx=0: row 0 of the embedding table is zero
    table = table.at[0].set(0.0)
    return {"inputs": inputs, "table": table}

def reference(inputs, table):
    # nn.Embedding forward: gather rows of the table by index
    return jnp.take(table, inputs, axis=0)

if __name__ == "__main__":
    import jax
    _d = setup_inputs()
    print(jax.jit(kernel)(*tuple(_d.values())))

</pallas_src>

<mosaic_0001>
#map = affine_map<(d0, d1) -> (0, 0)>
#map1 = affine_map<(d0, d1) -> (0, 0, 0, 0)>
module attributes {stable_mosaic.version = 14 : i64} {
  func.func @gather_kernel(%arg0: i32, %arg1: i32, %arg2: memref<1000000x64xf32, #tpu.memory_space<hbm>>, %arg3: memref<7x128x8x128xi32, #tpu.memory_space<hbm>>, %arg4: memref<16384x7x8x128xf32, #tpu.memory_space<hbm>>, %arg5: memref<7x4x8x128xi32, #tpu.memory_space<vmem>>, %arg6: memref<128x64xf32, #tpu.memory_space<vmem>>, %arg7: memref<128x64xf32, #tpu.memory_space<vmem>>, %arg8: memref<128x64xf32, #tpu.memory_space<vmem>>, %arg9: memref<128x64xf32, #tpu.memory_space<vmem>>, %arg10: memref<128x64xf32, #tpu.memory_space<vmem>>, %arg11: memref<128x64xf32, #tpu.memory_space<vmem>>, %arg12: memref<128x64xf32, #tpu.memory_space<vmem>>, %arg13: memref<128x64xf32, #tpu.memory_space<vmem>>, %arg14: memref<!tpu.dma_semaphore, #tpu.memory_space<semaphore_mem>>, %arg15: memref<!tpu.dma_semaphore, #tpu.memory_space<semaphore_mem>>, %arg16: memref<!tpu.dma_semaphore, #tpu.memory_space<semaphore_mem>>, %arg17: memref<!tpu.dma_semaphore, #tpu.memory_space<semaphore_mem>>, %arg18: memref<!tpu.dma_semaphore, #tpu.memory_space<semaphore_mem>>, %arg19: memref<!tpu.dma_semaphore, #tpu.memory_space<semaphore_mem>>, %arg20: memref<!tpu.dma_semaphore, #tpu.memory_space<semaphore_mem>>, %arg21: memref<!tpu.dma_semaphore, #tpu.memory_space<semaphore_mem>>, %arg22: memref<!tpu.dma_semaphore, #tpu.memory_space<semaphore_mem>>, %arg23: memref<!tpu.dma_semaphore, #tpu.memory_space<semaphore_mem>>, %arg24: memref<!tpu.dma_semaphore, #tpu.memory_space<semaphore_mem>>, %arg25: memref<!tpu.dma_semaphore, #tpu.memory_space<semaphore_mem>>, %arg26: memref<!tpu.dma_semaphore, #tpu.memory_space<semaphore_mem>>, %arg27: memref<!tpu.dma_semaphore, #tpu.memory_space<semaphore_mem>>, %arg28: memref<!tpu.dma_semaphore, #tpu.memory_space<semaphore_mem>>, %arg29: memref<!tpu.dma_semaphore, #tpu.memory_space<semaphore_mem>>) attributes {dimension_semantics = [#tpu.dimension_semantics<core_parallel>, #tpu.dimension_semantics<subcore_parallel>], iteration_bounds = array<i64: 2, 16>, scalar_prefetch = 0 : i64, scratch_operands = 25 : i64, tpu.core_type = #tpu.core_type<sc_vector_subcore>, window_params = [{transform_indices = #map}, {transform_indices = #map1}, {transform_indices = #map1}]} {
    %mul3A = arith.constant 2 : i32
    %mul3A_0 = arith.muli %arg1, %mul3A : i32
    %add3A = arith.addi %mul3A_0, %arg0 : i32
    %mul3A_1 = arith.constant 4 : i32
    %mul3A_2 = arith.muli %add3A, %mul3A_1 : i32
    "tpu.region"() ({
      %run_scoped3A = tpu.sem_alloc : memref<!tpu.dma_semaphore, #tpu.memory_space<semaphore_mem>>
      %dma_start3A_95 = arith.constant 0 : i32
      %dma_start3A_96 = arith.constant 0 : i32
      %dma_start3A_97 = arith.constant 0 : i32
      %dma_start3A_98 = tpu.memref_slice %arg3[%dma_start3A_95, %mul3A_2, %dma_start3A_96, %dma_start3A_97] : memref<7x128x8x128xi32, #tpu.memory_space<hbm>> -> memref<7x4x8x128xi32, #tpu.memory_space<hbm>>
      %dma_start3A_99 = arith.constant 0 : i32
      %dma_start3A_100 = arith.constant 0 : i32
      %dma_start3A_101 = arith.constant 0 : i32
      %dma_start3A_102 = tpu.memref_slice %arg3[%dma_start3A_99, %mul3A_2, %dma_start3A_100, %dma_start3A_101] : memref<7x128x8x128xi32, #tpu.memory_space<hbm>> -> memref<7x4x8x128xi32, #tpu.memory_space<hbm>>
      tpu.enqueue_dma source(%dma_start3A_102 : memref<7x4x8x128xi32, #tpu.memory_space<hbm>>) target(%arg5 : memref<7x4x8x128xi32, #tpu.memory_space<vmem>>) target_semaphore(%run_scoped3A : memref<!tpu.dma_semaphore, #tpu.memory_space<semaphore_mem>>)
      %dma_wait3A_103 = arith.constant 0 : i32
      %dma_wait3A_104 = arith.constant 0 : i32
      %dma_wait3A_105 = arith.constant 0 : i32
      %dma_wait3A_106 = tpu.memref_slice %arg3[%dma_wait3A_103, %mul3A_2, %dma_wait3A_104, %dma_wait3A_105] : memref<7x128x8x128xi32, #tpu.memory_space<hbm>> -> memref<7x4x8x128xi32, #tpu.memory_space<hbm>>
      %dma_wait3A_107 = arith.constant 0 : i32
      %dma_wait3A_108 = arith.constant 0 : i32
      %dma_wait3A_109 = arith.constant 0 : i32
      %dma_wait3A_110 = tpu.memref_slice %arg3[%dma_wait3A_107, %mul3A_2, %dma_wait3A_108, %dma_wait3A_109] : memref<7x128x8x128xi32, #tpu.memory_space<hbm>> -> memref<7x4x8x128xi32, #tpu.memory_space<hbm>>
      tpu.wait_dma2 semaphore(%run_scoped3A : memref<!tpu.dma_semaphore, #tpu.memory_space<semaphore_mem>>) src(%dma_wait3A_110 : memref<7x4x8x128xi32, #tpu.memory_space<hbm>>) dst(%arg5 : memref<7x4x8x128xi32, #tpu.memory_space<vmem>>)
      tpu.yield
    }) : () -> ()
    %dma_start3A = arith.constant 0 : i32
    %dma_start3A_3 = arith.constant 0 : i32
    %dma_start3A_4 = arith.constant 0 : i32
    %dma_start3A_5 = arith.constant 0 : i32
    %dma_start3A_6 = tpu.memref_slice %arg5[%dma_start3A, %dma_start3A_3, %dma_start3A_4, %dma_start3A_5] : memref<7x4x8x128xi32, #tpu.memory_space<vmem>> -> memref<1x1x1x128xi32, #tpu.memory_space<vmem>>
    %dma_start3A_7 = tpu.memref_squeeze %dma_start3A_6 : memref<1x1x1x128xi32, #tpu.memory_space<vmem>> -> memref<128xi32, #tpu.memory_space<vmem>>
    %dma_start3A_8 = arith.constant 0 : i32
    %dma_start3A_9 = arith.constant 0 : i32
    %dma_start3A_10 = tpu.memref_slice %arg2[%dma_start3A_8, %dma_start3A_9] : memref<1000000x64xf32, #tpu.memory_space<hbm>> -> memref<1000000x64xf32, #tpu.memory_space<hbm>>
    tpu.enqueue_indirect_dma source(%dma_start3A_10 : memref<1000000x64xf32, #tpu.memory_space<hbm>>) target(%arg6 : memref<128x64xf32, #tpu.memory_space<vmem>>) offsets(%dma_start3A_7 : memref<128xi32, #tpu.memory_space<vmem>>) semaphore(%arg14 : memref<!tpu.dma_semaphore, #tpu.memory_space<semaphore_mem>>)
    %scan3A = arith.constant 0 : i32
    %scan3A_11 = arith.constant 0 : i32
    %scan3A_12 = arith.constant 25 : i32
    %scan3A_13 = arith.addi %scan3A_11, %scan3A_12 : i32
    %scan3A_14 = arith.constant 1 : i32
    scf.for %scan3A_95 = %scan3A_11 to %scan3A_13 step %scan3A_14  : i32 {
      %mul3A_96 = arith.constant 8 : i32
      %mul3A_97 = arith.muli %scan3A_95, %mul3A_96 : i32
      %add3A_98 = arith.constant 0 : i32
      %add3A_99 = arith.addi %mul3A_97, %add3A_98 : i32
      %add3A_100 = arith.constant 1 : i32
      %add3A_101 = arith.addi %add3A_99, %add3A_100 : i32
      %lt3A = arith.constant 200 : i32
      %lt3A_102 = arith.cmpi slt, %add3A_101, %lt3A : i32
      %convert_element_type3A = arith.extui %lt3A_102 : i1 to i32
      %cond3A = arith.constant 0 : i32
      %cond3A_103 = arith.cmpi ne, %convert_element_type3A, %cond3A : i32
      scf.if %cond3A_103 {
        %ge3A = arith.constant 7 : i32
        %ge3A_852 = arith.cmpi sge, %add3A_99, %ge3A : i32
        %convert_element_type3A_853 = arith.extui %ge3A_852 : i1 to i32
        %cond3A_854 = arith.constant 0 : i32
        %cond3A_855 = arith.cmpi ne, %convert_element_type3A_853, %cond3A_854 : i32
        scf.if %cond3A_855 {
          %dma_wait3A_931 = arith.constant 0 : i32
          %dma_wait3A_932 = arith.constant 0 : i32
          %dma_wait3A_933 = arith.constant 0 : i32
          %dma_wait3A_934 = arith.constant 0 : i32
          %dma_wait3A_935 = tpu.memref_slice %arg4[%dma_wait3A_933, %dma_wait3A_931, %dma_wait3A_932, %dma_wait3A_934] : memref<16384x7x8x128xf32, #tpu.memory_space<hbm>> -> memref<128x1x1x64xf32, #tpu.memory_space<hbm>>
          %dma_wait3A_936 = tpu.memref_squeeze %dma_wait3A_935 : memref<128x1x1x64xf32, #tpu.memory_space<hbm>> -> memref<128x64xf32, #tpu.memory_space<hbm>>
          %dma_wait3A_937 = arith.constant 0 : i32
          %dma_wait3A_938 = arith.constant 0 : i32
          %dma_wait3A_939 = tpu.memref_slice %arg4[%dma_wait3A_937, %dma_wait3A_931, %dma_wait3A_932, %dma_wait3A_938] : memref<16384x7x8x128xf32, #tpu.memory_space<hbm>> -> memref<128x1x1x64xf32, #tpu.memory_space<hbm>>
          %dma_wait3A_940 = tpu.memref_squeeze %dma_wait3A_939 : memref<128x1x1x64xf32, #tpu.memory_space<hbm>> -> memref<128x64xf32, #tpu.memory_space<hbm>>
          tpu.wait_dma2 semaphore(%arg23 : memref<!tpu.dma_semaphore, #tpu.memory_space<semaphore_mem>>) src(%arg7 : memref<128x64xf32, #tpu.memory_space<vmem>>) dst(%dma_wait3A_940 : memref<128x64xf32, #tpu.memory_space<hbm>>)
        } else {
        }
        %add3A_856 = arith.constant 1 : i32
        %add3A_857 = arith.addi %add3A_99, %add3A_856 : i32
        %jit3A_858 = arith.constant 4 : i32
        %div3A_859 = arith.divsi %add3A_857, %jit3A_858 : i32
        %sign3A_860 = arith.constant 0 : i32
        %sign3A_861 = arith.cmpi sgt, %add3A_857, %sign3A_860 : i32
        %sign3A_862 = arith.extui %sign3A_861 : i1 to i32
        %sign3A_863 = arith.constant 0 : i32
        %sign3A_864 = arith.cmpi slt, %add3A_857, %sign3A_863 : i32
        %sign3A_865 = arith.extui %sign3A_864 : i1 to i32
        %sign3A_866 = arith.subi %sign3A_862, %sign3A_865 : i32
        %sign3A_867 = arith.constant 0 : i32
        %sign3A_868 = arith.cmpi sgt, %jit3A_858, %sign3A_867 : i32
        %sign3A_869 = arith.extui %sign3A_868 : i1 to i32
        %sign3A_870 = arith.constant 0 : i32
        %sign3A_871 = arith.cmpi slt, %jit3A_858, %sign3A_870 : i32
        %sign3A_872 = arith.extui %sign3A_871 : i1 to i32
        %sign3A_873 = arith.subi %sign3A_869, %sign3A_872 : i32
        %ne3A_874 = arith.cmpi ne, %sign3A_866, %sign3A_873 : i32
        %rem3A_875 = arith.remsi %add3A_857, %jit3A_858 : i32
        %ne3A_876 = arith.constant 0 : i32
        %ne3A_877 = arith.cmpi ne, %rem3A_875, %ne3A_876 : i32
        %and3A_878 = arith.andi %ne3A_874, %ne3A_877 : i1
        %sub3A_879 = arith.constant 1 : i32
        %sub3A_880 = arith.subi %div3A_859, %sub3A_879 : i32
        %select_n3A_881 = arith.select %and3A_878, %sub3A_880, %div3A_859 : i32
        %mul3A_882 = arith.constant 4 : i32
        %mul3A_883 = arith.muli %select_n3A_881, %mul3A_882 : i32
        %sub3A_884 = arith.subi %add3A_857, %mul3A_883 : i32
        %jit3A_885 = arith.constant 8 : i32
        %div3A_886 = arith.divsi %select_n3A_881, %jit3A_885 : i32
        %sign3A_887 = arith.constant 0 : i32
        %sign3A_888 = arith.cmpi sgt, %select_n3A_881, %sign3A_887 : i32
        %sign3A_889 = arith.extui %sign3A_888 : i1 to i32
        %sign3A_890 = arith.constant 0 : i32
        %sign3A_891 = arith.cmpi slt, %select_n3A_881, %sign3A_890 : i32
        %sign3A_892 = arith.extui %sign3A_891 : i1 to i32
        %sign3A_893 = arith.subi %sign3A_889, %sign3A_892 : i32
        %sign3A_894 = arith.constant 0 : i32
        %sign3A_895 = arith.cmpi sgt, %jit3A_885, %sign3A_894 : i32
        %sign3A_896 = arith.extui %sign3A_895 : i1 to i32
        %sign3A_897 = arith.constant 0 : i32
        %sign3A_898 = arith.cmpi slt, %jit3A_885, %sign3A_897 : i32
        %sign3A_899 = arith.extui %sign3A_898 : i1 to i32
        %sign3A_900 = arith.subi %sign3A_896, %sign3A_899 : i32
        %ne3A_901 = arith.cmpi ne, %sign3A_893, %sign3A_900 : i32
        %rem3A_902 = arith.remsi %select_n3A_881, %jit3A_885 : i32
        %ne3A_903 = arith.constant 0 : i32
        %ne3A_904 = arith.cmpi ne, %rem3A_902, %ne3A_903 : i32
        %and3A_905 = arith.andi %ne3A_901, %ne3A_904 : i1
        %sub3A_906 = arith.constant 1 : i32
        %sub3A_907 = arith.subi %div3A_886, %sub3A_906 : i32
        %select_n3A_908 = arith.select %and3A_905, %sub3A_907, %div3A_886 : i32
        %jit3A_909 = arith.constant 8 : i32
        %eq3A_910 = arith.constant 0 : i32
        %eq3A_911 = arith.cmpi eq, %jit3A_909, %eq3A_910 : i32
        %jit3A_912 = arith.constant 1 : i32
        %select_n3A_913 = arith.select %eq3A_911, %jit3A_912, %jit3A_909 : i32
        %rem3A_914 = arith.remsi %select_n3A_881, %select_n3A_913 : i32
        %ne3A_915 = arith.constant 0 : i32
        %ne3A_916 = arith.cmpi ne, %rem3A_914, %ne3A_915 : i32
        %lt3A_917 = arith.constant 0 : i32
        %lt3A_918 = arith.cmpi slt, %rem3A_914, %lt3A_917 : i32
        %lt3A_919 = arith.constant 0 : i32
        %lt3A_920 = arith.cmpi slt, %select_n3A_913, %lt3A_919 : i32
        %ne3A_921 = arith.xori %lt3A_918, %lt3A_920 : i1
        %and3A_922 = arith.andi %ne3A_921, %ne3A_916 : i1
        %add3A_923 = arith.addi %rem3A_914, %select_n3A_913 : i32
        %select_n3A_924 = arith.select %and3A_922, %add3A_923, %rem3A_914 : i32
        %dma_start3A_925 = arith.constant 0 : i32
        %dma_start3A_926 = tpu.memref_slice %arg5[%select_n3A_908, %sub3A_884, %select_n3A_924, %dma_start3A_925] : memref<7x4x8x128xi32, #tpu.memory_space<vmem>> -> memref<1x1x1x128xi32, #tpu.memory_space<vmem>>
        %dma_start3A_927 = tpu.memref_squeeze %dma_start3A_926 : memref<1x1x1x128xi32, #tpu.memory_space<vmem>> -> memref<128xi32, #tpu.memory_space<vmem>>
        %dma_start3A_928 = arith.constant 0 : i32
        %dma_start3A_929 = arith.constant 0 : i32
        %dma_start3A_930 = tpu.memref_slice %arg2[%dma_start3A_928, %dma_start3A_929] : memref<1000000x64xf32, #tpu.memory_space<hbm>> -> memref<1000000x64xf32, #tpu.memory_space<hbm>>
        tpu.enqueue_indirect_dma source(%dma_start3A_930 : memref<1000000x64xf32, #tpu.memory_space<hbm>>) target(%arg7 : memref<128x64xf32, #tpu.memory_space<vmem>>) offsets(%dma_start3A_927 : memref<128xi32, #tpu.memory_space<vmem>>) semaphore(%arg15 : memref<!tpu.dma_semaphore, #tpu.memory_space<semaphore_mem>>)
      } else {
      }
      %dma_wait3A_104 = arith.constant 0 : i32
      %dma_wait3A_105 = arith.constant 0 : i32
      %dma_wait3A_106 = arith.constant 0 : i32
      %dma_wait3A_107 = arith.constant 0 : i32
      %dma_wait3A_108 = tpu.memref_slice %arg5[%dma_wait3A_104, %dma_wait3A_105, %dma_wait3A_106, %dma_wait3A_107] : memref<7x4x8x128xi32, #tpu.memory_space<vmem>> -> memref<1x1x1x128xi32, #tpu.memory_space<vmem>>
      %dma_wait3A_109 = tpu.memref_squeeze %dma_wait3A_108 : memref<1x1x1x128xi32, #tpu.memory_space<vmem>> -> memref<128xi32, #tpu.memory_space<vmem>>
      %dma_wait3A_110 = arith.constant 0 : i32
      %dma_wait3A_111 = arith.constant 0 : i32
      %dma_wait3A_112 = tpu.memref_slice %arg2[%dma_wait3A_110, %dma_wait3A_111] : memref<1000000x64xf32, #tpu.memory_space<hbm>> -> memref<1000000x64xf32, #tpu.memory_space<hbm>>
      tpu.wait_indirect_dma semaphore(%arg14 : memref<!tpu.dma_semaphore, #tpu.memory_space<semaphore_mem>>) src(%dma_wait3A_112 : memref<1000000x64xf32, #tpu.memory_space<hbm>>) dst(%arg6 : memref<128x64xf32, #tpu.memory_space<vmem>>)
      %jit3A = arith.constant 4 : i32
      %div3A = arith.divsi %add3A_99, %jit3A : i32
      %sign3A = arith.constant 0 : i32
      %sign3A_113 = arith.cmpi sgt, %add3A_99, %sign3A : i32
      %sign3A_114 = arith.extui %sign3A_113 : i1 to i32
      %sign3A_115 = arith.constant 0 : i32
      %sign3A_116 = arith.cmpi slt, %add3A_99, %sign3A_115 : i32
      %sign3A_117 = arith.extui %sign3A_116 : i1 to i32
      %sign3A_118 = arith.subi %sign3A_114, %sign3A_117 : i32
      %sign3A_119 = arith.constant 0 : i32
      %sign3A_120 = arith.cmpi sgt, %jit3A, %sign3A_119 : i32
      %sign3A_121 = arith.extui %sign3A_120 : i1 to i32
      %sign3A_122 = arith.constant 0 : i32
      %sign3A_123 = arith.cmpi slt, %jit3A, %sign3A_122 : i32
      %sign3A_124 = arith.extui %sign3A_123 : i1 to i32
      %sign3A_125 = arith.subi %sign3A_121, %sign3A_124 : i32
      %ne3A = arith.cmpi ne, %sign3A_118, %sign3A_125 : i32
      %rem3A = arith.remsi %add3A_99, %jit3A : i32
      %ne3A_126 = arith.constant 0 : i32
      %ne3A_127 = arith.cmpi ne, %rem3A, %ne3A_126 : i32
      %and3A = arith.andi %ne3A, %ne3A_127 : i1
      %sub3A = arith.constant 1 : i32
      %sub3A_128 = arith.subi %div3A, %sub3A : i32
      %select_n3A = arith.select %and3A, %sub3A_128, %div3A : i32
      %mul3A_129 = arith.constant 4 : i32
      %mul3A_130 = arith.muli %select_n3A, %mul3A_129 : i32
      %sub3A_131 = arith.subi %add3A_99, %mul3A_130 : i32
      %add3A_132 = arith.addi %mul3A_2, %sub3A_131 : i32
      %mul3A_133 = arith.constant 128 : i32
      %mul3A_134 = arith.muli %add3A_132, %mul3A_133 : i32
      %jit3A_135 = arith.constant 8 : i32
      %div3A_136 = arith.divsi %select_n3A, %jit3A_135 : i32
      %sign3A_137 = arith.constant 0 : i32
      %sign3A_138 = arith.cmpi sgt, %select_n3A, %sign3A_137 : i32
      %sign3A_139 = arith.extui %sign3A_138 : i1 to i32
      %sign3A_140 = arith.constant 0 : i32
      %sign3A_141 = arith.cmpi slt, %select_n3A, %sign3A_140 : i32
      %sign3A_142 = arith.extui %sign3A_141 : i1 to i32
      %sign3A_143 = arith.subi %sign3A_139, %sign3A_142 : i32
      %sign3A_144 = arith.constant 0 : i32
      %sign3A_145 = arith.cmpi sgt, %jit3A_135, %sign3A_144 : i32
      %sign3A_146 = arith.extui %sign3A_145 : i1 to i32
      %sign3A_147 = arith.constant 0 : i32
      %sign3A_148 = arith.cmpi slt, %jit3A_135, %sign3A_147 : i32
      %sign3A_149 = arith.extui %sign3A_148 : i1 to i32
      %sign3A_150 = arith.subi %sign3A_146, %sign3A_149 : i32
      %ne3A_151 = arith.cmpi ne, %sign3A_143, %sign3A_150 : i32
      %rem3A_152 = arith.remsi %select_n3A, %jit3A_135 : i32
      %ne3A_153 = arith.constant 0 : i32
      %ne3A_154 = arith.cmpi ne, %rem3A_152, %ne3A_153 : i32
      %and3A_155 = arith.andi %ne3A_151, %ne3A_154 : i1
      %sub3A_156 = arith.constant 1 : i32
      %sub3A_157 = arith.subi %div3A_136, %sub3A_156 : i32
      %select_n3A_158 = arith.select %and3A_155, %sub3A_157, %div3A_136 : i32
      %jit3A_159 = arith.constant 8 : i32
      %eq3A = arith.constant 0 : i32
      %eq3A_160 = arith.cmpi eq, %jit3A_159, %eq3A : i32
      %jit3A_161 = arith.constant 1 : i32
      %select_n3A_162 = arith.select %eq3A_160, %jit3A_161, %jit3A_159 : i32
      %rem3A_163 = arith.remsi %select_n3A, %select_n3A_162 : i32
      %ne3A_164 = arith.constant 0 : i32
      %ne3A_165 = arith.cmpi ne, %rem3A_163, %ne3A_164 : i32
      %lt3A_166 = arith.constant 0 : i32
      %lt3A_167 = arith.cmpi slt, %rem3A_163, %lt3A_166 : i32
      %lt3A_168 = arith.constant 0 : i32
      %lt3A_169 = arith.cmpi slt, %select_n3A_162, %lt3A_168 : i32
      %ne3A_170 = arith.xori %lt3A_167, %lt3A_169 : i1
      %and3A_171 = arith.andi %ne3A_170, %ne3A_165 : i1
      %add3A_172 = arith.addi %rem3A_163, %select_n3A_162 : i32
      %select_n3A_173 = arith.select %and3A_171, %add3A_172, %rem3A_163 : i32
      %dma_start3A_174 = arith.constant 0 : i32
      %dma_start3A_175 = tpu.memref_slice %arg4[%mul3A_134, %select_n3A_158, %select_n3A_173, %dma_start3A_174] : memref<16384x7x8x128xf32, #tpu.memory_space<hbm>> -> memref<128x1x1x64xf32, #tpu.memory_space<hbm>>
      %dma_start3A_176 = tpu.memref_squeeze %dma_start3A_175 : memref<128x1x1x64xf32, #tpu.memory_space<hbm>> -> memref<128x64xf32, #tpu.memory_space<hbm>>
      %dma_start3A_177 = arith.constant 0 : i32
      %dma_start3A_178 = tpu.memref_slice %arg4[%mul3A_134, %select_n3A_158, %select_n3A_173, %dma_start3A_177] : memref<16384x7x8x128xf32, #tpu.memory_space<hbm>> -> memref<128x1x1x64xf32, #tpu.memory_space<hbm>>
      %dma_start3A_179 = tpu.memref_squeeze %dma_start3A_178 : memref<128x1x1x64xf32, #tpu.memory_space<hbm>> -> memref<128x64xf32, #tpu.memory_space<hbm>>
      tpu.enqueue_dma source(%arg6 : memref<128x64xf32, #tpu.memory_space<vmem>>) target(%dma_start3A_179 : memref<128x64xf32, #tpu.memory_space<hbm>>) target_semaphore(%arg22 : memref<!tpu.dma_semaphore, #tpu.memory_space<semaphore_mem>>)
      %mul3A_180 = arith.constant 8 : i32
      %mul3A_181 = arith.muli %scan3A_95, %mul3A_180 : i32
      %add3A_182 = arith.constant 1 : i32
      %add3A_183 = arith.addi %mul3A_181, %add3A_182 : i32
      %add3A_184 = arith.constant 1 : i32
      %add3A_185 = arith.addi %add3A_183, %add3A_184 : i32
      %lt3A_186 = arith.constant 200 : i32
      %lt3A_187 = arith.cmpi slt, %add3A_185, %lt3A_186 : i32
      %convert_element_type3A_188 = arith.extui %lt3A_187 : i1 to i32
      %cond3A_189 = arith.constant 0 : i32
      %cond3A_190 = arith.cmpi ne, %convert_element_type3A_188, %cond3A_189 : i32
      scf.if %cond3A_190 {
        %ge3A = arith.constant 7 : i32
        %ge3A_852 = arith.cmpi sge, %add3A_183, %ge3A : i32
        %convert_element_type3A_853 = arith.extui %ge3A_852 : i1 to i32
        %cond3A_854 = arith.constant 0 : i32
        %cond3A_855 = arith.cmpi ne, %convert_element_type3A_853, %cond3A_854 : i32
        scf.if %cond3A_855 {
          %dma_wait3A_931 = arith.constant 0 : i32
          %dma_wait3A_932 = arith.constant 0 : i32
          %dma_wait3A_933 = arith.constant 0 : i32
          %dma_wait3A_934 = arith.constant 0 : i32
          %dma_wait3A_935 = tpu.memref_slice %arg4[%dma_wait3A_933, %dma_wait3A_931, %dma_wait3A_932, %dma_wait3A_934] : memref<16384x7x8x128xf32, #tpu.memory_space<hbm>> -> memref<128x1x1x64xf32, #tpu.memory_space<hbm>>
          %dma_wait3A_936 = tpu.memref_squeeze %dma_wait3A_935 : memref<128x1x1x64xf32, #tpu.memory_space<hbm>> -> memref<128x64xf32, #tpu.memory_space<hbm>>
          %dma_wait3A_937 = arith.constant 0 : i32
          %dma_wait3A_938 = arith.constant 0 : i32
          %dma_wait3A_939 = tpu.memref_slice %arg4[%dma_wait3A_937, %dma_wait3A_931, %dma_wait3A_932, %dma_wait3A_938] : memref<16384x7x8x128xf32, #tpu.memory_space<hbm>> -> memref<128x1x1x64xf32, #tpu.memory_space<hbm>>
          %dma_wait3A_940 = tpu.memref_squeeze %dma_wait3A_939 : memref<128x1x1x64xf32, #tpu.memory_space<hbm>> -> memref<128x64xf32, #tpu.memory_space<hbm>>
          tpu.wait_dma2 semaphore(%arg24 : memref<!tpu.dma_semaphore, #tpu.memory_space<semaphore_mem>>) src(%arg8 : memref<128x64xf32, #tpu.memory_space<vmem>>) dst(%dma_wait3A_940 : memref<128x64xf32, #tpu.memory_space<hbm>>)
        } else {
        }
        %add3A_856 = arith.constant 1 : i32
        %add3A_857 = arith.addi %add3A_183, %add3A_856 : i32
        %jit3A_858 = arith.constant 4 : i32
        %div3A_859 = arith.divsi %add3A_857, %jit3A_858 : i32
        %sign3A_860 = arith.constant 0 : i32
        %sign3A_861 = arith.cmpi sgt, %add3A_857, %sign3A_860 : i32
        %sign3A_862 = arith.extui %sign3A_861 : i1 to i32
        %sign3A_863 = arith.constant 0 : i32
        %sign3A_864 = arith.cmpi slt, %add3A_857, %sign3A_863 : i32
        %sign3A_865 = arith.extui %sign3A_864 : i1 to i32
        %sign3A_866 = arith.subi %sign3A_862, %sign3A_865 : i32
        %sign3A_867 = arith.constant 0 : i32
        %sign3A_868 = arith.cmpi sgt, %jit3A_858, %sign3A_867 : i32
        %sign3A_869 = arith.extui %sign3A_868 : i1 to i32
        %sign3A_870 = arith.constant 0 : i32
        %sign3A_871 = arith.cmpi slt, %jit3A_858, %sign3A_870 : i32
        %sign3A_872 = arith.extui %sign3A_871 : i1 to i32
        %sign3A_873 = arith.subi %sign3A_869, %sign3A_872 : i32
        %ne3A_874 = arith.cmpi ne, %sign3A_866, %sign3A_873 : i32
        %rem3A_875 = arith.remsi %add3A_857, %jit3A_858 : i32
        %ne3A_876 = arith.constant 0 : i32
        %ne3A_877 = arith.cmpi ne, %rem3A_875, %ne3A_876 : i32
        %and3A_878 = arith.andi %ne3A_874, %ne3A_877 : i1
        %sub3A_879 = arith.constant 1 : i32
        %sub3A_880 = arith.subi %div3A_859, %sub3A_879 : i32
        %select_n3A_881 = arith.select %and3A_878, %sub3A_880, %div3A_859 : i32
        %mul3A_882 = arith.constant 4 : i32
        %mul3A_883 = arith.muli %select_n3A_881, %mul3A_882 : i32
        %sub3A_884 = arith.subi %add3A_857, %mul3A_883 : i32
        %jit3A_885 = arith.constant 8 : i32
        %div3A_886 = arith.divsi %select_n3A_881, %jit3A_885 : i32
        %sign3A_887 = arith.constant 0 : i32
        %sign3A_888 = arith.cmpi sgt, %select_n3A_881, %sign3A_887 : i32
        %sign3A_889 = arith.extui %sign3A_888 : i1 to i32
        %sign3A_890 = arith.constant 0 : i32
        %sign3A_891 = arith.cmpi slt, %select_n3A_881, %sign3A_890 : i32
        %sign3A_892 = arith.extui %sign3A_891 : i1 to i32
        %sign3A_893 = arith.subi %sign3A_889, %sign3A_892 : i32
        %sign3A_894 = arith.constant 0 : i32
        %sign3A_895 = arith.cmpi sgt, %jit3A_885, %sign3A_894 : i32
        %sign3A_896 = arith.extui %sign3A_895 : i1 to i32
        %sign3A_897 = arith.constant 0 : i32
        %sign3A_898 = arith.cmpi slt, %jit3A_885, %sign3A_897 : i32
        %sign3A_899 = arith.extui %sign3A_898 : i1 to i32
        %sign3A_900 = arith.subi %sign3A_896, %sign3A_899 : i32
        %ne3A_901 = arith.cmpi ne, %sign3A_893, %sign3A_900 : i32
        %rem3A_902 = arith.remsi %select_n3A_881, %jit3A_885 : i32
        %ne3A_903 = arith.constant 0 : i32
        %ne3A_904 = arith.cmpi ne, %rem3A_902, %ne3A_903 : i32
        %and3A_905 = arith.andi %ne3A_901, %ne3A_904 : i1
        %sub3A_906 = arith.constant 1 : i32
        %sub3A_907 = arith.subi %div3A_886, %sub3A_906 : i32
        %select_n3A_908 = arith.select %and3A_905, %sub3A_907, %div3A_886 : i32
        %jit3A_909 = arith.constant 8 : i32
        %eq3A_910 = arith.constant 0 : i32
        %eq3A_911 = arith.cmpi eq, %jit3A_909, %eq3A_910 : i32
        %jit3A_912 = arith.constant 1 : i32
        %select_n3A_913 = arith.select %eq3A_911, %jit3A_912, %jit3A_909 : i32
        %rem3A_914 = arith.remsi %select_n3A_881, %select_n3A_913 : i32
        %ne3A_915 = arith.constant 0 : i32
        %ne3A_916 = arith.cmpi ne, %rem3A_914, %ne3A_915 : i32
        %lt3A_917 = arith.constant 0 : i32
        %lt3A_918 = arith.cmpi slt, %rem3A_914, %lt3A_917 : i32
        %lt3A_919 = arith.constant 0 : i32
        %lt3A_920 = arith.cmpi slt, %select_n3A_913, %lt3A_919 : i32
        %ne3A_921 = arith.xori %lt3A_918, %lt3A_920 : i1
        %and3A_922 = arith.andi %ne3A_921, %ne3A_916 : i1
        %add3A_923 = arith.addi %rem3A_914, %select_n3A_913 : i32
        %select_n3A_924 = arith.select %and3A_922, %add3A_923, %rem3A_914 : i32
        %dma_start3A_925 = arith.constant 0 : i32
        %dma_start3A_926 = tpu.memref_slice %arg5[%select_n3A_908, %sub3A_884, %select_n3A_924, %dma_start3A_925] : memref<7x4x8x128xi32, #tpu.memory_space<vmem>> -> memref<1x1x1x128xi32, #tpu.memory_space<vmem>>
        %dma_start3A_927 = tpu.memref_squeeze %dma_start3A_926 : memref<1x1x1x128xi32, #tpu.memory_space<vmem>> -> memref<128xi32, #tpu.memory_space<vmem>>
        %dma_start3A_928 = arith.constant 0 : i32
        %dma_start3A_929 = arith.constant 0 : i32
        %dma_start3A_930 = tpu.memref_slice %arg2[%dma_start3A_928, %dma_start3A_929] : memref<1000000x64xf32, #tpu.memory_space<hbm>> -> memref<1000000x64xf32, #tpu.memory_space<hbm>>
        tpu.enqueue_indirect_dma source(%dma_start3A_930 : memref<1000000x64xf32, #tpu.memory_space<hbm>>) target(%arg8 : memref<128x64xf32, #tpu.memory_space<vmem>>) offsets(%dma_start3A_927 : memref<128xi32, #tpu.memory_space<vmem>>) semaphore(%arg16 : memref<!tpu.dma_semaphore, #tpu.memory_space<semaphore_mem>>)
      } else {
      }
      %dma_wait3A_191 = arith.constant 0 : i32
      %dma_wait3A_192 = arith.constant 0 : i32
      %dma_wait3A_193 = arith.constant 0 : i32
      %dma_wait3A_194 = arith.constant 0 : i32
      %dma_wait3A_195 = tpu.memref_slice %arg5[%dma_wait3A_191, %dma_wait3A_192, %dma_wait3A_193, %dma_wait3A_194] : memref<7x4x8x128xi32, #tpu.memory_space<vmem>> -> memref<1x1x1x128xi32, #tpu.memory_space<vmem>>
      %dma_wait3A_196 = tpu.memref_squeeze %dma_wait3A_195 : memref<1x1x1x128xi32, #tpu.memory_space<vmem>> -> memref<128xi32, #tpu.memory_space<vmem>>
      %dma_wait3A_197 = arith.constant 0 : i32
      %dma_wait3A_198 = arith.constant 0 : i32
      %dma_wait3A_199 = tpu.memref_slice %arg2[%dma_wait3A_197, %dma_wait3A_198] : memref<1000000x64xf32, #tpu.memory_space<hbm>> -> memref<1000000x64xf32, #tpu.memory_space<hbm>>
      tpu.wait_indirect_dma semaphore(%arg15 : memref<!tpu.dma_semaphore, #tpu.memory_space<semaphore_mem>>) src(%dma_wait3A_199 : memref<1000000x64xf32, #tpu.memory_space<hbm>>) dst(%arg7 : memref<128x64xf32, #tpu.memory_space<vmem>>)
      %jit3A_200 = arith.constant 4 : i32
      %div3A_201 = arith.divsi %add3A_183, %jit3A_200 : i32
      %sign3A_202 = arith.constant 0 : i32
      %sign3A_203 = arith.cmpi sgt, %add3A_183, %sign3A_202 : i32
      %sign3A_204 = arith.extui %sign3A_203 : i1 to i32
      %sign3A_205 = arith.constant 0 : i32
      %sign3A_206 = arith.cmpi slt, %add3A_183, %sign3A_205 : i32
      %sign3A_207 = arith.extui %sign3A_206 : i1 to i32
      %sign3A_208 = arith.subi %sign3A_204, %sign3A_207 : i32
      %sign3A_209 = arith.constant 0 : i32
      %sign3A_210 = arith.cmpi sgt, %jit3A_200, %sign3A_209 : i32
      %sign3A_211 = arith.extui %sign3A_210 : i1 to i32
      %sign3A_212 = arith.constant 0 : i32
      %sign3A_213 = arith.cmpi slt, %jit3A_200, %sign3A_212 : i32
      %sign3A_214 = arith.extui %sign3A_213 : i1 to i32
      %sign3A_215 = arith.subi %sign3A_211, %sign3A_214 : i32
      %ne3A_216 = arith.cmpi ne, %sign3A_208, %sign3A_215 : i32
      %rem3A_217 = arith.remsi %add3A_183, %jit3A_200 : i32
      %ne3A_218 = arith.constant 0 : i32
      %ne3A_219 = arith.cmpi ne, %rem3A_217, %ne3A_218 : i32
      %and3A_220 = arith.andi %ne3A_216, %ne3A_219 : i1
      %sub3A_221 = arith.constant 1 : i32
      %sub3A_222 = arith.subi %div3A_201, %sub3A_221 : i32
      %select_n3A_223 = arith.select %and3A_220, %sub3A_222, %div3A_201 : i32
      %mul3A_224 = arith.constant 4 : i32
      %mul3A_225 = arith.muli %select_n3A_223, %mul3A_224 : i32
      %sub3A_226 = arith.subi %add3A_183, %mul3A_225 : i32
      %add3A_227 = arith.addi %mul3A_2, %sub3A_226 : i32
      %mul3A_228 = arith.constant 128 : i32
      %mul3A_229 = arith.muli %add3A_227, %mul3A_228 : i32
      %jit3A_230 = arith.constant 8 : i32
      %div3A_231 = arith.divsi %select_n3A_223, %jit3A_230 : i32
      %sign3A_232 = arith.constant 0 : i32
      %sign3A_233 = arith.cmpi sgt, %select_n3A_223, %sign3A_232 : i32
      %sign3A_234 = arith.extui %sign3A_233 : i1 to i32
      %sign3A_235 = arith.constant 0 : i32
      %sign3A_236 = arith.cmpi slt, %select_n3A_223, %sign3A_235 : i32
      %sign3A_237 = arith.extui %sign3A_236 : i1 to i32
      %sign3A_238 = arith.subi %sign3A_234, %sign3A_237 : i32
      %sign3A_239 = arith.constant 0 : i32
      %sign3A_240 = arith.cmpi sgt, %jit3A_230, %sign3A_239 : i32
      %sign3A_241 = arith.extui %sign3A_240 : i1 to i32
      %sign3A_242 = arith.constant 0 : i32
      %sign3A_243 = arith.cmpi slt, %jit3A_230, %sign3A_242 : i32
      %sign3A_244 = arith.extui %sign3A_243 : i1 to i32
      %sign3A_245 = arith.subi %sign3A_241, %sign3A_244 : i32
      %ne3A_246 = arith.cmpi ne, %sign3A_238, %sign3A_245 : i32
      %rem3A_247 = arith.remsi %select_n3A_223, %jit3A_230 : i32
      %ne3A_248 = arith.constant 0 : i32
      %ne3A_249 = arith.cmpi ne, %rem3A_247, %ne3A_248 : i32
      %and3A_250 = arith.andi %ne3A_246, %ne3A_249 : i1
      %sub3A_251 = arith.constant 1 : i32
      %sub3A_252 = arith.subi %div3A_231, %sub3A_251 : i32
      %select_n3A_253 = arith.select %and3A_250, %sub3A_252, %div3A_231 : i32
      %jit3A_254 = arith.constant 8 : i32
      %eq3A_255 = arith.constant 0 : i32
      %eq3A_256 = arith.cmpi eq, %jit3A_254, %eq3A_255 : i32
      %jit3A_257 = arith.constant 1 : i32
      %select_n3A_258 = arith.select %eq3A_256, %jit3A_257, %jit3A_254 : i32
      %rem3A_259 = arith.remsi %select_n3A_223, %select_n3A_258 : i32
      %ne3A_260 = arith.constant 0 : i32
      %ne3A_261 = arith.cmpi ne, %rem3A_259, %ne3A_260 : i32
      %lt3A_262 = arith.constant 0 : i32
      %lt3A_263 = arith.cmpi slt, %rem3A_259, %lt3A_262 : i32
      %lt3A_264 = arith.constant 0 : i32
      %lt3A_265 = arith.cmpi slt, %select_n3A_258, %lt3A_264 : i32
      %ne3A_266 = arith.xori %lt3A_263, %lt3A_265 : i1
      %and3A_267 = arith.andi %ne3A_266, %ne3A_261 : i1
      %add3A_268 = arith.addi %rem3A_259, %select_n3A_258 : i32
      %select_n3A_269 = arith.select %and3A_267, %add3A_268, %rem3A_259 : i32
      %dma_start3A_270 = arith.constant 0 : i32
      %dma_start3A_271 = tpu.memref_slice %arg4[%mul3A_229, %select_n3A_253, %select_n3A_269, %dma_start3A_270] : memref<16384x7x8x128xf32, #tpu.memory_space<hbm>> -> memref<128x1x1x64xf32, #tpu.memory_space<hbm>>
      %dma_start3A_272 = tpu.memref_squeeze %dma_start3A_271 : memref<128x1x1x64xf32, #tpu.memory_space<hbm>> -> memref<128x64xf32, #tpu.memory_space<hbm>>
      %dma_start3A_273 = arith.constant 0 : i32
      %dma_start3A_274 = tpu.memref_slice %arg4[%mul3A_229, %select_n3A_253, %select_n3A_269, %dma_start3A_273] : memref<16384x7x8x128xf32, #tpu.memory_space<hbm>> -> memref<128x1x1x64xf32, #tpu.memory_space<hbm>>
      %dma_start3A_275 = tpu.memref_squeeze %dma_start3A_274 : memref<128x1x1x64xf32, #tpu.memory_space<hbm>> -> memref<128x64xf32, #tpu.memory_space<hbm>>
      tpu.enqueue_dma source(%arg7 : memref<128x64xf32, #tpu.memory_space<vmem>>) target(%dma_start3A_275 : memref<128x64xf32, #tpu.memory_space<hbm>>) target_semaphore(%arg23 : memref<!tpu.dma_semaphore, #tpu.memory_space<semaphore_mem>>)
      %mul3A_276 = arith.constant 8 : i32
      %mul3A_277 = arith.muli %scan3A_95, %mul3A_276 : i32
      %add3A_278 = arith.constant 2 : i32
      %add3A_279 = arith.addi %mul3A_277, %add3A_278 : i32
      %add3A_280 = arith.constant 1 : i32
      %add3A_281 = arith.addi %add3A_279, %add3A_280 : i32
      %lt3A_282 = arith.constant 200 : i32
      %lt3A_283 = arith.cmpi slt, %add3A_281, %lt3A_282 : i32
      %convert_element_type3A_284 = arith.extui %lt3A_283 : i1 to i32
      %cond3A_285 = arith.constant 0 : i32
      %cond3A_286 = arith.cmpi ne, %convert_element_type3A_284, %cond3A_285 : i32
      scf.if %cond3A_286 {
        %ge3A = arith.constant 7 : i32
        %ge3A_852 = arith.cmpi sge, %add3A_279, %ge3A : i32
        %convert_element_type3A_853 = arith.extui %ge3A_852 : i1 to i32
        %cond3A_854 = arith.constant 0 : i32
        %cond3A_855 = arith.cmpi ne, %convert_element_type3A_853, %cond3A_854 : i32
        scf.if %cond3A_855 {
          %dma_wait3A_931 = arith.constant 0 : i32
          %dma_wait3A_932 = arith.constant 0 : i32
          %dma_wait3A_933 = arith.constant 0 : i32
          %dma_wait3A_934 = arith.constant 0 : i32
          %dma_wait3A_935 = tpu.memref_slice %arg4[%dma_wait3A_933, %dma_wait3A_931, %dma_wait3A_932, %dma_wait3A_934] : memref<16384x7x8x128xf32, #tpu.memory_space<hbm>> -> memref<128x1x1x64xf32, #tpu.memory_space<hbm>>
          %dma_wait3A_936 = tpu.memref_squeeze %dma_wait3A_935 : memref<128x1x1x64xf32, #tpu.memory_space<hbm>> -> memref<128x64xf32, #tpu.memory_space<hbm>>
          %dma_wait3A_937 = arith.constant 0 : i32
          %dma_wait3A_938 = arith.constant 0 : i32
          %dma_wait3A_939 = tpu.memref_slice %arg4[%dma_wait3A_937, %dma_wait3A_931, %dma_wait3A_932, %dma_wait3A_938] : memref<16384x7x8x128xf32, #tpu.memory_space<hbm>> -> memref<128x1x1x64xf32, #tpu.memory_space<hbm>>
          %dma_wait3A_940 = tpu.memref_squeeze %dma_wait3A_939 : memref<128x1x1x64xf32, #tpu.memory_space<hbm>> -> memref<128x64xf32, #tpu.memory_space<hbm>>
          tpu.wait_dma2 semaphore(%arg25 : memref<!tpu.dma_semaphore, #tpu.memory_space<semaphore_mem>>) src(%arg9 : memref<128x64xf32, #tpu.memory_space<vmem>>) dst(%dma_wait3A_940 : memref<128x64xf32, #tpu.memory_space<hbm>>)
        } else {
        }
        %add3A_856 = arith.constant 1 : i32
        %add3A_857 = arith.addi %add3A_279, %add3A_856 : i32
        %jit3A_858 = arith.constant 4 : i32
        %div3A_859 = arith.divsi %add3A_857, %jit3A_858 : i32
        %sign3A_860 = arith.constant 0 : i32
        %sign3A_861 = arith.cmpi sgt, %add3A_857, %sign3A_860 : i32
        %sign3A_862 = arith.extui %sign3A_861 : i1 to i32
        %sign3A_863 = arith.constant 0 : i32
        %sign3A_864 = arith.cmpi slt, %add3A_857, %sign3A_863 : i32
        %sign3A_865 = arith.extui %sign3A_864 : i1 to i32
        %sign3A_866 = arith.subi %sign3A_862, %sign3A_865 : i32
        %sign3A_867 = arith.constant 0 : i32
        %sign3A_868 = arith.cmpi sgt, %jit3A_858, %sign3A_867 : i32
        %sign3A_869 = arith.extui %sign3A_868 : i1 to i32
        %sign3A_870 = arith.constant 0 : i32
        %sign3A_871 = arith.cmpi slt, %jit3A_858, %sign3A_870 : i32
        %sign3A_872 = arith.extui %sign3A_871 : i1 to i32
        %sign3A_873 = arith.subi %sign3A_869, %sign3A_872 : i32
        %ne3A_874 = arith.cmpi ne, %sign3A_866, %sign3A_873 : i32
        %rem3A_875 = arith.remsi %add3A_857, %jit3A_858 : i32
        %ne3A_876 = arith.constant 0 : i32
        %ne3A_877 = arith.cmpi ne, %rem3A_875, %ne3A_876 : i32
        %and3A_878 = arith.andi %ne3A_874, %ne3A_877 : i1
        %sub3A_879 = arith.constant 1 : i32
        %sub3A_880 = arith.subi %div3A_859, %sub3A_879 : i32
        %select_n3A_881 = arith.select %and3A_878, %sub3A_880, %div3A_859 : i32
        %mul3A_882 = arith.constant 4 : i32
        %mul3A_883 = arith.muli %select_n3A_881, %mul3A_882 : i32
        %sub3A_884 = arith.subi %add3A_857, %mul3A_883 : i32
        %jit3A_885 = arith.constant 8 : i32
        %div3A_886 = arith.divsi %select_n3A_881, %jit3A_885 : i32
        %sign3A_887 = arith.constant 0 : i32
        %sign3A_888 = arith.cmpi sgt, %select_n3A_881, %sign3A_887 : i32
        %sign3A_889 = arith.extui %sign3A_888 : i1 to i32
        %sign3A_890 = arith.constant 0 : i32
        %sign3A_891 = arith.cmpi slt, %select_n3A_881, %sign3A_890 : i32
        %sign3A_892 = arith.extui %sign3A_891 : i1 to i32
        %sign3A_893 = arith.subi %sign3A_889, %sign3A_892 : i32
        %sign3A_894 = arith.constant 0 : i32
        %sign3A_895 = arith.cmpi sgt, %jit3A_885, %sign3A_894 : i32
        %sign3A_896 = arith.extui %sign3A_895 : i1 to i32
        %sign3A_897 = arith.constant 0 : i32
        %sign3A_898 = arith.cmpi slt, %jit3A_885, %sign3A_897 : i32
        %sign3A_899 = arith.extui %sign3A_898 : i1 to i32
        %sign3A_900 = arith.subi %sign3A_896, %sign3A_899 : i32
        %ne3A_901 = arith.cmpi ne, %sign3A_893, %sign3A_900 : i32
        %rem3A_902 = arith.remsi %select_n3A_881, %jit3A_885 : i32
        %ne3A_903 = arith.constant 0 : i32
        %ne3A_904 = arith.cmpi ne, %rem3A_902, %ne3A_903 : i32
        %and3A_905 = arith.andi %ne3A_901, %ne3A_904 : i1
        %sub3A_906 = arith.constant 1 : i32
        %sub3A_907 = arith.subi %div3A_886, %sub3A_906 : i32
        %select_n3A_908 = arith.select %and3A_905, %sub3A_907, %div3A_886 : i32
        %jit3A_909 = arith.constant 8 : i32
        %eq3A_910 = arith.constant 0 : i32
        %eq3A_911 = arith.cmpi eq, %jit3A_909, %eq3A_910 : i32
        %jit3A_912 = arith.constant 1 : i32
        %select_n3A_913 = arith.select %eq3A_911, %jit3A_912, %jit3A_909 : i32
        %rem3A_914 = arith.remsi %select_n3A_881, %select_n3A_913 : i32
        %ne3A_915 = arith.constant 0 : i32
        %ne3A_916 = arith.cmpi ne, %rem3A_914, %ne3A_915 : i32
        %lt3A_917 = arith.constant 0 : i32
        %lt3A_918 = arith.cmpi slt, %rem3A_914, %lt3A_917 : i32
        %lt3A_919 = arith.constant 0 : i32
        %lt3A_920 = arith.cmpi slt, %select_n3A_913, %lt3A_919 : i32
        %ne3A_921 = arith.xori %lt3A_918, %lt3A_920 : i1
        %and3A_922 = arith.andi %ne3A_921, %ne3A_916 : i1
        %add3A_923 = arith.addi %rem3A_914, %select_n3A_913 : i32
        %select_n3A_924 = arith.select %and3A_922, %add3A_923, %rem3A_914 : i32
        %dma_start3A_925 = arith.constant 0 : i32
        %dma_start3A_926 = tpu.memref_slice %arg5[%select_n3A_908, %sub3A_884, %select_n3A_924, %dma_start3A_925] : memref<7x4x8x128xi32, #tpu.memory_space<vmem>> -> memref<1x1x1x128xi32, #tpu.memory_space<vmem>>
        %dma_start3A_927 = tpu.memref_squeeze %dma_start3A_926 : memref<1x1x1x128xi32, #tpu.memory_space<vmem>> -> memref<128xi32, #tpu.memory_space<vmem>>
        %dma_start3A_928 = arith.constant 0 : i32
        %dma_start3A_929 = arith.constant 0 : i32
        %dma_start3A_930 = tpu.memref_slice %arg2[%dma_start3A_928, %dma_start3A_929] : memref<1000000x64xf32, #tpu.memory_space<hbm>> -> memref<1000000x64xf32, #tpu.memory_space<hbm>>
        tpu.enqueue_indirect_dma source(%dma_start3A_930 : memref<1000000x64xf32, #tpu.memory_space<hbm>>) target(%arg9 : memref<128x64xf32, #tpu.memory_space<vmem>>) offsets(%dma_start3A_927 : memref<128xi32, #tpu.memory_space<vmem>>) semaphore(%arg17 : memref<!tpu.dma_semaphore, #tpu.memory_space<semaphore_mem>>)
      } else {
      }
      %dma_wait3A_287 = arith.constant 0 : i32
      %dma_wait3A_288 = arith.constant 0 : i32
      %dma_wait3A_289 = arith.constant 0 : i32
      %dma_wait3A_290 = arith.constant 0 : i32
      %dma_wait3A_291 = tpu.memref_slice %arg5[%dma_wait3A_287, %dma_wait3A_288, %dma_wait3A_289, %dma_wait3A_290] : memref<7x4x8x128xi32, #tpu.memory_space<vmem>> -> memref<1x1x1x128xi32, #tpu.memory_space<vmem>>
      %dma_wait3A_292 = tpu.memref_squeeze %dma_wait3A_291 : memref<1x1x1x128xi32, #tpu.memory_space<vmem>> -> memref<128xi32, #tpu.memory_space<vmem>>
      %dma_wait3A_293 = arith.constant 0 : i32
      %dma_wait3A_294 = arith.constant 0 : i32
      %dma_wait3A_295 = tpu.memref_slice %arg2[%dma_wait3A_293, %dma_wait3A_294] : memref<1000000x64xf32, #tpu.memory_space<hbm>> -> memref<1000000x64xf32, #tpu.memory_space<hbm>>
      tpu.wait_indirect_dma semaphore(%arg16 : memref<!tpu.dma_semaphore, #tpu.memory_space<semaphore_mem>>) src(%dma_wait3A_295 : memref<1000000x64xf32, #tpu.memory_space<hbm>>) dst(%arg8 : memref<128x64xf32, #tpu.memory_space<vmem>>)
      %jit3A_296 = arith.constant 4 : i32
      %div3A_297 = arith.divsi %add3A_279, %jit3A_296 : i32
      %sign3A_298 = arith.constant 0 : i32
      %sign3A_299 = arith.cmpi sgt, %add3A_279, %sign3A_298 : i32
      %sign3A_300 = arith.extui %sign3A_299 : i1 to i32
      %sign3A_301 = arith.constant 0 : i32
      %sign3A_302 = arith.cmpi slt, %add3A_279, %sign3A_301 : i32
      %sign3A_303 = arith.extui %sign3A_302 : i1 to i32
      %sign3A_304 = arith.subi %sign3A_300, %sign3A_303 : i32
      %sign3A_305 = arith.constant 0 : i32
      %sign3A_306 = arith.cmpi sgt, %jit3A_296, %sign3A_305 : i32
      %sign3A_307 = arith.extui %sign3A_306 : i1 to i32
      %sign3A_308 = arith.constant 0 : i32
      %sign3A_309 = arith.cmpi slt, %jit3A_296, %sign3A_308 : i32
      %sign3A_310 = arith.extui %sign3A_309 : i1 to i32
      %sign3A_311 = arith.subi %sign3A_307, %sign3A_310 : i32
      %ne3A_312 = arith.cmpi ne, %sign3A_304, %sign3A_311 : i32
      %rem3A_313 = arith.remsi %add3A_279, %jit3A_296 : i32
      %ne3A_314 = arith.constant 0 : i32
      %ne3A_315 = arith.cmpi ne, %rem3A_313, %ne3A_314 : i32
      %and3A_316 = arith.andi %ne3A_312, %ne3A_315 : i1
      %sub3A_317 = arith.constant 1 : i32
      %sub3A_318 = arith.subi %div3A_297, %sub3A_317 : i32
      %select_n3A_319 = arith.select %and3A_316, %sub3A_318, %div3A_297 : i32
      %mul3A_320 = arith.constant 4 : i32
      %mul3A_321 = arith.muli %select_n3A_319, %mul3A_320 : i32
      %sub3A_322 = arith.subi %add3A_279, %mul3A_321 : i32
      %add3A_323 = arith.addi %mul3A_2, %sub3A_322 : i32
      %mul3A_324 = arith.constant 128 : i32
      %mul3A_325 = arith.muli %add3A_323, %mul3A_324 : i32
      %jit3A_326 = arith.constant 8 : i32
      %div3A_327 = arith.divsi %select_n3A_319, %jit3A_326 : i32
      %sign3A_328 = arith.constant 0 : i32
      %sign3A_329 = arith.cmpi sgt, %select_n3A_319, %sign3A_328 : i32
      %sign3A_330 = arith.extui %sign3A_329 : i1 to i32
      %sign3A_331 = arith.constant 0 : i32
      %sign3A_332 = arith.cmpi slt, %select_n3A_319, %sign3A_331 : i32
      %sign3A_333 = arith.extui %sign3A_332 : i1 to i32
      %sign3A_334 = arith.subi %sign3A_330, %sign3A_333 : i32
      %sign3A_335 = arith.constant 0 : i32
      %sign3A_336 = arith.cmpi sgt, %jit3A_326, %sign3A_335 : i32
      %sign3A_337 = arith.extui %sign3A_336 : i1 to i32
      %sign3A_338 = arith.constant 0 : i32
      %sign3A_339 = arith.cmpi slt, %jit3A_326, %sign3A_338 : i32
      %sign3A_340 = arith.extui %sign3A_339 : i1 to i32
      %sign3A_341 = arith.subi %sign3A_337, %sign3A_340 : i32
      %ne3A_342 = arith.cmpi ne, %sign3A_334, %sign3A_341 : i32
      %rem3A_343 = arith.remsi %select_n3A_319, %jit3A_326 : i32
      %ne3A_344 = arith.constant 0 : i32
      %ne3A_345 = arith.cmpi ne, %rem3A_343, %ne3A_344 : i32
      %and3A_346 = arith.andi %ne3A_342, %ne3A_345 : i1
      %sub3A_347 = arith.constant 1 : i32
      %sub3A_348 = arith.subi %div3A_327, %sub3A_347 : i32
      %select_n3A_349 = arith.select %and3A_346, %sub3A_348, %div3A_327 : i32
      %jit3A_350 = arith.constant 8 : i32
      %eq3A_351 = arith.constant 0 : i32
      %eq3A_352 = arith.cmpi eq, %jit3A_350, %eq3A_351 : i32
      %jit3A_353 = arith.constant 1 : i32
      %select_n3A_354 = arith.select %eq3A_352, %jit3A_353, %jit3A_350 : i32
      %rem3A_355 = arith.remsi %select_n3A_319, %select_n3A_354 : i32
      %ne3A_356 = arith.constant 0 : i32
      %ne3A_357 = arith.cmpi ne, %rem3A_355, %ne3A_356 : i32
      %lt3A_358 = arith.constant 0 : i32
      %lt3A_359 = arith.cmpi slt, %rem3A_355, %lt3A_358 : i32
      %lt3A_360 = arith.constant 0 : i32
      %lt3A_361 = arith.cmpi slt, %select_n3A_354, %lt3A_360 : i32
      %ne3A_362 = arith.xori %lt3A_359, %lt3A_361 : i1
      %and3A_363 = arith.andi %ne3A_362, %ne3A_357 : i1
      %add3A_364 = arith.addi %rem3A_355, %select_n3A_354 : i32
      %select_n3A_365 = arith.select %and3A_363, %add3A_364, %rem3A_355 : i32
      %dma_start3A_366 = arith.constant 0 : i32
      %dma_start3A_367 = tpu.memref_slice %arg4[%mul3A_325, %select_n3A_349, %select_n3A_365, %dma_start3A_366] : memref<16384x7x8x128xf32, #tpu.memory_space<hbm>> -> memref<128x1x1x64xf32, #tpu.memory_space<hbm>>
      %dma_start3A_368 = tpu.memref_squeeze %dma_start3A_367 : memref<128x1x1x64xf32, #tpu.memory_space<hbm>> -> memref<128x64xf32, #tpu.memory_space<hbm>>
      %dma_start3A_369 = arith.constant 0 : i32
      %dma_start3A_370 = tpu.memref_slice %arg4[%mul3A_325, %select_n3A_349, %select_n3A_365, %dma_start3A_369] : memref<16384x7x8x128xf32, #tpu.memory_space<hbm>> -> memref<128x1x1x64xf32, #tpu.memory_space<hbm>>
      %dma_start3A_371 = tpu.memref_squeeze %dma_start3A_370 : memref<128x1x1x64xf32, #tpu.memory_space<hbm>> -> memref<128x64xf32, #tpu.memory_space<hbm>>
      tpu.enqueue_dma source(%arg8 : memref<128x64xf32, #tpu.memory_space<vmem>>) target(%dma_start3A_371 : memref<128x64xf32, #tpu.memory_space<hbm>>) target_semaphore(%arg24 : memref<!tpu.dma_semaphore, #tpu.memory_space<semaphore_mem>>)
      %mul3A_372 = arith.constant 8 : i32
      %mul3A_373 = arith.muli %scan3A_95, %mul3A_372 : i32
      %add3A_374 = arith.constant 3 : i32
      %add3A_375 = arith.addi %mul3A_373, %add3A_374 : i32
      %add3A_376 = arith.constant 1 : i32
      %add3A_377 = arith.addi %add3A_375, %add3A_376 : i32
      %lt3A_378 = arith.constant 200 : i32
      %lt3A_379 = arith.cmpi slt, %add3A_377, %lt3A_378 : i32
      %convert_element_type3A_380 = arith.extui %lt3A_379 : i1 to i32
      %cond3A_381 = arith.constant 0 : i32
      %cond3A_382 = arith.cmpi ne, %convert_element_type3A_380, %cond3A_381 : i32
      scf.if %cond3A_382 {
        %ge3A = arith.constant 7 : i32
        %ge3A_852 = arith.cmpi sge, %add3A_375, %ge3A : i32
        %convert_element_type3A_853 = arith.extui %ge3A_852 : i1 to i32
        %cond3A_854 = arith.constant 0 : i32
        %cond3A_855 = arith.cmpi ne, %convert_element_type3A_853, %cond3A_854 : i32
        scf.if %cond3A_855 {
          %dma_wait3A_931 = arith.constant 0 : i32
          %dma_wait3A_932 = arith.constant 0 : i32
          %dma_wait3A_933 = arith.constant 0 : i32
          %dma_wait3A_934 = arith.constant 0 : i32
          %dma_wait3A_935 = tpu.memref_slice %arg4[%dma_wait3A_933, %dma_wait3A_931, %dma_wait3A_932, %dma_wait3A_934] : memref<16384x7x8x128xf32, #tpu.memory_space<hbm>> -> memref<128x1x1x64xf32, #tpu.memory_space<hbm>>
          %dma_wait3A_936 = tpu.memref_squeeze %dma_wait3A_935 : memref<128x1x1x64xf32, #tpu.memory_space<hbm>> -> memref<128x64xf32, #tpu.memory_space<hbm>>
          %dma_wait3A_937 = arith.constant 0 : i32
          %dma_wait3A_938 = arith.constant 0 : i32
          %dma_wait3A_939 = tpu.memref_slice %arg4[%dma_wait3A_937, %dma_wait3A_931, %dma_wait3A_932, %dma_wait3A_938] : memref<16384x7x8x128xf32, #tpu.memory_space<hbm>> -> memref<128x1x1x64xf32, #tpu.memory_space<hbm>>
          %dma_wait3A_940 = tpu.memref_squeeze %dma_wait3A_939 : memref<128x1x1x64xf32, #tpu.memory_space<hbm>> -> memref<128x64xf32, #tpu.memory_space<hbm>>
          tpu.wait_dma2 semaphore(%arg26 : memref<!tpu.dma_semaphore, #tpu.memory_space<semaphore_mem>>) src(%arg10 : memref<128x64xf32, #tpu.memory_space<vmem>>) dst(%dma_wait3A_940 : memref<128x64xf32, #tpu.memory_space<hbm>>)
        } else {
        }
        %add3A_856 = arith.constant 1 : i32
        %add3A_857 = arith.addi %add3A_375, %add3A_856 : i32
        %jit3A_858 = arith.constant 4 : i32
        %div3A_859 = arith.divsi %add3A_857, %jit3A_858 : i32
        %sign3A_860 = arith.constant 0 : i32
        %sign3A_861 = arith.cmpi sgt, %add3A_857, %sign3A_860 : i32
        %sign3A_862 = arith.extui %sign3A_861 : i1 to i32
        %sign3A_863 = arith.constant 0 : i32
        %sign3A_864 = arith.cmpi slt, %add3A_857, %sign3A_863 : i32
        %sign3A_865 = arith.extui %sign3A_864 : i1 to i32
        %sign3A_866 = arith.subi %sign3A_862, %sign3A_865 : i32
        %sign3A_867 = arith.constant 0 : i32
        %sign3A_868 = arith.cmpi sgt, %jit3A_858, %sign3A_867 : i32
        %sign3A_869 = arith.extui %sign3A_868 : i1 to i32
        %sign3A_870 = arith.constant 0 : i32
        %sign3A_871 = arith.cmpi slt, %jit3A_858, %sign3A_870 : i32
        %sign3A_872 = arith.extui %sign3A_871 : i1 to i32
        %sign3A_873 = arith.subi %sign3A_869, %sign3A_872 : i32
        %ne3A_874 = arith.cmpi ne, %sign3A_866, %sign3A_873 : i32
        %rem3A_875 = arith.remsi %add3A_857, %jit3A_858 : i32
        %ne3A_876 = arith.constant 0 : i32
        %ne3A_877 = arith.cmpi ne, %rem3A_875, %ne3A_876 : i32
        %and3A_878 = arith.andi %ne3A_874, %ne3A_877 : i1
        %sub3A_879 = arith.constant 1 : i32
        %sub3A_880 = arith.subi %div3A_859, %sub3A_879 : i32
        %select_n3A_881 = arith.select %and3A_878, %sub3A_880, %div3A_859 : i32
        %mul3A_882 = arith.constant 4 : i32
        %mul3A_883 = arith.muli %select_n3A_881, %mul3A_882 : i32
        %sub3A_884 = arith.subi %add3A_857, %mul3A_883 : i32
        %jit3A_885 = arith.constant 8 : i32
        %div3A_886 = arith.divsi %select_n3A_881, %jit3A_885 : i32
        %sign3A_887 = arith.constant 0 : i32
        %sign3A_888 = arith.cmpi sgt, %select_n3A_881, %sign3A_887 : i32
        %sign3A_889 = arith.extui %sign3A_888 : i1 to i32
        %sign3A_890 = arith.constant 0 : i32
        %sign3A_891 = arith.cmpi slt, %select_n3A_881, %sign3A_890 : i32
        %sign3A_892 = arith.extui %sign3A_891 : i1 to i32
        %sign3A_893 = arith.subi %sign3A_889, %sign3A_892 : i32
        %sign3A_894 = arith.constant 0 : i32
        %sign3A_895 = arith.cmpi sgt, %jit3A_885, %sign3A_894 : i32
        %sign3A_896 = arith.extui %sign3A_895 : i1 to i32
        %sign3A_897 = arith.constant 0 : i32
        %sign3A_898 = arith.cmpi slt, %jit3A_885, %sign3A_897 : i32
        %sign3A_899 = arith.extui %sign3A_898 : i1 to i32
        %sign3A_900 = arith.subi %sign3A_896, %sign3A_899 : i32
        %ne3A_901 = arith.cmpi ne, %sign3A_893, %sign3A_900 : i32
        %rem3A_902 = arith.remsi %select_n3A_881, %jit3A_885 : i32
        %ne3A_903 = arith.constant 0 : i32
        %ne3A_904 = arith.cmpi ne, %rem3A_902, %ne3A_903 : i32
        %and3A_905 = arith.andi %ne3A_901, %ne3A_904 : i1
        %sub3A_906 = arith.constant 1 : i32
        %sub3A_907 = arith.subi %div3A_886, %sub3A_906 : i32
        %select_n3A_908 = arith.select %and3A_905, %sub3A_907, %div3A_886 : i32
        %jit3A_909 = arith.constant 8 : i32
        %eq3A_910 = arith.constant 0 : i32
        %eq3A_911 = arith.cmpi eq, %jit3A_909, %eq3A_910 : i32
        %jit3A_912 = arith.constant 1 : i32
        %select_n3A_913 = arith.select %eq3A_911, %jit3A_912, %jit3A_909 : i32
        %rem3A_914 = arith.remsi %select_n3A_881, %select_n3A_913 : i32
        %ne3A_915 = arith.constant 0 : i32
        %ne3A_916 = arith.cmpi ne, %rem3A_914, %ne3A_915 : i32
        %lt3A_917 = arith.constant 0 : i32
        %lt3A_918 = arith.cmpi slt, %rem3A_914, %lt3A_917 : i32
        %lt3A_919 = arith.constant 0 : i32
        %lt3A_920 = arith.cmpi slt, %select_n3A_913, %lt3A_919 : i32
        %ne3A_921 = arith.xori %lt3A_918, %lt3A_920 : i1
        %and3A_922 = arith.andi %ne3A_921, %ne3A_916 : i1
        %add3A_923 = arith.addi %rem3A_914, %select_n3A_913 : i32
        %select_n3A_924 = arith.select %and3A_922, %add3A_923, %rem3A_914 : i32
        %dma_start3A_925 = arith.constant 0 : i32
        %dma_start3A_926 = tpu.memref_slice %arg5[%select_n3A_908, %sub3A_884, %select_n3A_924, %dma_start3A_925] : memref<7x4x8x128xi32, #tpu.memory_space<vmem>> -> memref<1x1x1x128xi32, #tpu.memory_space<vmem>>
        %dma_start3A_927 = tpu.memref_squeeze %dma_start3A_926 : memref<1x1x1x128xi32, #tpu.memory_space<vmem>> -> memref<128xi32, #tpu.memory_space<vmem>>
        %dma_start3A_928 = arith.constant 0 : i32
        %dma_start3A_929 = arith.constant 0 : i32
        %dma_start3A_930 = tpu.memref_slice %arg2[%dma_start3A_928, %dma_start3A_929] : memref<1000000x64xf32, #tpu.memory_space<hbm>> -> memref<1000000x64xf32, #tpu.memory_space<hbm>>
        tpu.enqueue_indirect_dma source(%dma_start3A_930 : memref<1000000x64xf32, #tpu.memory_space<hbm>>) target(%arg10 : memref<128x64xf32, #tpu.memory_space<vmem>>) offsets(%dma_start3A_927 : memref<128xi32, #tpu.memory_space<vmem>>) semaphore(%arg18 : memref<!tpu.dma_semaphore, #tpu.memory_space<semaphore_mem>>)
      } else {
      }
      %dma_wait3A_383 = arith.constant 0 : i32
      %dma_wait3A_384 = arith.constant 0 : i32
      %dma_wait3A_385 = arith.constant 0 : i32
      %dma_wait3A_386 = arith.constant 0 : i32
      %dma_wait3A_387 = tpu.memref_slice %arg5[%dma_wait3A_383, %dma_wait3A_384, %dma_wait3A_385, %dma_wait3A_386] : memref<7x4x8x128xi32, #tpu.memory_space<vmem>> -> memref<1x1x1x128xi32, #tpu.memory_space<vmem>>
      %dma_wait3A_388 = tpu.memref_squeeze %dma_wait3A_387 : memref<1x1x1x128xi32, #tpu.memory_space<vmem>> -> memref<128xi32, #tpu.memory_space<vmem>>
      %dma_wait3A_389 = arith.constant 0 : i32
      %dma_wait3A_390 = arith.constant 0 : i32
      %dma_wait3A_391 = tpu.memref_slice %arg2[%dma_wait3A_389, %dma_wait3A_390] : memref<1000000x64xf32, #tpu.memory_space<hbm>> -> memref<1000000x64xf32, #tpu.memory_space<hbm>>
      tpu.wait_indirect_dma semaphore(%arg17 : memref<!tpu.dma_semaphore, #tpu.memory_space<semaphore_mem>>) src(%dma_wait3A_391 : memref<1000000x64xf32, #tpu.memory_space<hbm>>) dst(%arg9 : memref<128x64xf32, #tpu.memory_space<vmem>>)
      %jit3A_392 = arith.constant 4 : i32
      %div3A_393 = arith.divsi %add3A_375, %jit3A_392 : i32
      %sign3A_394 = arith.constant 0 : i32
      %sign3A_395 = arith.cmpi sgt, %add3A_375, %sign3A_394 : i32
      %sign3A_396 = arith.extui %sign3A_395 : i1 to i32
      %sign3A_397 = arith.constant 0 : i32
      %sign3A_398 = arith.cmpi slt, %add3A_375, %sign3A_397 : i32
      %sign3A_399 = arith.extui %sign3A_398 : i1 to i32
      %sign3A_400 = arith.subi %sign3A_396, %sign3A_399 : i32
      %sign3A_401 = arith.constant 0 : i32
      %sign3A_402 = arith.cmpi sgt, %jit3A_392, %sign3A_401 : i32
      %sign3A_403 = arith.extui %sign3A_402 : i1 to i32
      %sign3A_404 = arith.constant 0 : i32
      %sign3A_405 = arith.cmpi slt, %jit3A_392, %sign3A_404 : i32
      %sign3A_406 = arith.extui %sign3A_405 : i1 to i32
      %sign3A_407 = arith.subi %sign3A_403, %sign3A_406 : i32
      %ne3A_408 = arith.cmpi ne, %sign3A_400, %sign3A_407 : i32
      %rem3A_409 = arith.remsi %add3A_375, %jit3A_392 : i32
      %ne3A_410 = arith.constant 0 : i32
      %ne3A_411 = arith.cmpi ne, %rem3A_409, %ne3A_410 : i32
      %and3A_412 = arith.andi %ne3A_408, %ne3A_411 : i1
      %sub3A_413 = arith.constant 1 : i32
      %sub3A_414 = arith.subi %div3A_393, %sub3A_413 : i32
      %select_n3A_415 = arith.select %and3A_412, %sub3A_414, %div3A_393 : i32
      %mul3A_416 = arith.constant 4 : i32
      %mul3A_417 = arith.muli %select_n3A_415, %mul3A_416 : i32
      %sub3A_418 = arith.subi %add3A_375, %mul3A_417 : i32
      %add3A_419 = arith.addi %mul3A_2, %sub3A_418 : i32
      %mul3A_420 = arith.constant 128 : i32
      %mul3A_421 = arith.muli %add3A_419, %mul3A_420 : i32
      %jit3A_422 = arith.constant 8 : i32
      %div3A_423 = arith.divsi %select_n3A_415, %jit3A_422 : i32
      %sign3A_424 = arith.constant 0 : i32
      %sign3A_425 = arith.cmpi sgt, %select_n3A_415, %sign3A_424 : i32
      %sign3A_426 = arith.extui %sign3A_425 : i1 to i32
      %sign3A_427 = arith.constant 0 : i32
      %sign3A_428 = arith.cmpi slt, %select_n3A_415, %sign3A_427 : i32
      %sign3A_429 = arith.extui %sign3A_428 : i1 to i32
      %sign3A_430 = arith.subi %sign3A_426, %sign3A_429 : i32
      %sign3A_431 = arith.constant 0 : i32
      %sign3A_432 = arith.cmpi sgt, %jit3A_422, %sign3A_431 : i32
      %sign3A_433 = arith.extui %sign3A_432 : i1 to i32
      %sign3A_434 = arith.constant 0 : i32
      %sign3A_435 = arith.cmpi slt, %jit3A_422, %sign3A_434 : i32
      %sign3A_436 = arith.extui %sign3A_435 : i1 to i32
      %sign3A_437 = arith.subi %sign3A_433, %sign3A_436 : i32
      %ne3A_438 = arith.cmpi ne, %sign3A_430, %sign3A_437 : i32
      %rem3A_439 = arith.remsi %select_n3A_415, %jit3A_422 : i32
      %ne3A_440 = arith.constant 0 : i32
      %ne3A_441 = arith.cmpi ne, %rem3A_439, %ne3A_440 : i32
      %and3A_442 = arith.andi %ne3A_438, %ne3A_441 : i1
      %sub3A_443 = arith.constant 1 : i32
      %sub3A_444 = arith.subi %div3A_423, %sub3A_443 : i32
      %select_n3A_445 = arith.select %and3A_442, %sub3A_444, %div3A_423 : i32
      %jit3A_446 = arith.constant 8 : i32
      %eq3A_447 = arith.constant 0 : i32
      %eq3A_448 = arith.cmpi eq, %jit3A_446, %eq3A_447 : i32
      %jit3A_449 = arith.constant 1 : i32
      %select_n3A_450 = arith.select %eq3A_448, %jit3A_449, %jit3A_446 : i32
      %rem3A_451 = arith.remsi %select_n3A_415, %select_n3A_450 : i32
      %ne3A_452 = arith.constant 0 : i32
      %ne3A_453 = arith.cmpi ne, %rem3A_451, %ne3A_452 : i32
      %lt3A_454 = arith.constant 0 : i32
      %lt3A_455 = arith.cmpi slt, %rem3A_451, %lt3A_454 : i32
      %lt3A_456 = arith.constant 0 : i32
      %lt3A_457 = arith.cmpi slt, %select_n3A_450, %lt3A_456 : i32
      %ne3A_458 = arith.xori %lt3A_455, %lt3A_457 : i1
      %and3A_459 = arith.andi %ne3A_458, %ne3A_453 : i1
      %add3A_460 = arith.addi %rem3A_451, %select_n3A_450 : i32
      %select_n3A_461 = arith.select %and3A_459, %add3A_460, %rem3A_451 : i32
      %dma_start3A_462 = arith.constant 0 : i32
      %dma_start3A_463 = tpu.memref_slice %arg4[%mul3A_421, %select_n3A_445, %select_n3A_461, %dma_start3A_462] : memref<16384x7x8x128xf32, #tpu.memory_space<hbm>> -> memref<128x1x1x64xf32, #tpu.memory_space<hbm>>
      %dma_start3A_464 = tpu.memref_squeeze %dma_start3A_463 : memref<128x1x1x64xf32, #tpu.memory_space<hbm>> -> memref<128x64xf32, #tpu.memory_space<hbm>>
      %dma_start3A_465 = arith.constant 0 : i32
      %dma_start3A_466 = tpu.memref_slice %arg4[%mul3A_421, %select_n3A_445, %select_n3A_461, %dma_start3A_465] : memref<16384x7x8x128xf32, #tpu.memory_space<hbm>> -> memref<128x1x1x64xf32, #tpu.memory_space<hbm>>
      %dma_start3A_467 = tpu.memref_squeeze %dma_start3A_466 : memref<128x1x1x64xf32, #tpu.memory_space<hbm>> -> memref<128x64xf32, #tpu.memory_space<hbm>>
      tpu.enqueue_dma source(%arg9 : memref<128x64xf32, #tpu.memory_space<vmem>>) target(%dma_start3A_467 : memref<128x64xf32, #tpu.memory_space<hbm>>) target_semaphore(%arg25 : memref<!tpu.dma_semaphore, #tpu.memory_space<semaphore_mem>>)
      %mul3A_468 = arith.constant 8 : i32
      %mul3A_469 = arith.muli %scan3A_95, %mul3A_468 : i32
      %add3A_470 = arith.constant 4 : i32
      %add3A_471 = arith.addi %mul3A_469, %add3A_470 : i32
      %add3A_472 = arith.constant 1 : i32
      %add3A_473 = arith.addi %add3A_471, %add3A_472 : i32
      %lt3A_474 = arith.constant 200 : i32
      %lt3A_475 = arith.cmpi slt, %add3A_473, %lt3A_474 : i32
      %convert_element_type3A_476 = arith.extui %lt3A_475 : i1 to i32
      %cond3A_477 = arith.constant 0 : i32
      %cond3A_478 = arith.cmpi ne, %convert_element_type3A_476, %cond3A_477 : i32
      scf.if %cond3A_478 {
        %ge3A = arith.constant 7 : i32
        %ge3A_852 = arith.cmpi sge, %add3A_471, %ge3A : i32
        %convert_element_type3A_853 = arith.extui %ge3A_852 : i1 to i32
        %cond3A_854 = arith.constant 0 : i32
        %cond3A_855 = arith.cmpi ne, %convert_element_type3A_853, %cond3A_854 : i32
        scf.if %cond3A_855 {
          %dma_wait3A_931 = arith.constant 0 : i32
          %dma_wait3A_932 = arith.constant 0 : i32
          %dma_wait3A_933 = arith.constant 0 : i32
          %dma_wait3A_934 = arith.constant 0 : i32
          %dma_wait3A_935 = tpu.memref_slice %arg4[%dma_wait3A_933, %dma_wait3A_931, %dma_wait3A_932, %dma_wait3A_934] : memref<16384x7x8x128xf32, #tpu.memory_space<hbm>> -> memref<128x1x1x64xf32, #tpu.memory_space<hbm>>
          %dma_wait3A_936 = tpu.memref_squeeze %dma_wait3A_935 : memref<128x1x1x64xf32, #tpu.memory_space<hbm>> -> memref<128x64xf32, #tpu.memory_space<hbm>>
          %dma_wait3A_937 = arith.constant 0 : i32
          %dma_wait3A_938 = arith.constant 0 : i32
          %dma_wait3A_939 = tpu.memref_slice %arg4[%dma_wait3A_937, %dma_wait3A_931, %dma_wait3A_932, %dma_wait3A_938] : memref<16384x7x8x128xf32, #tpu.memory_space<hbm>> -> memref<128x1x1x64xf32, #tpu.memory_space<hbm>>
          %dma_wait3A_940 = tpu.memref_squeeze %dma_wait3A_939 : memref<128x1x1x64xf32, #tpu.memory_space<hbm>> -> memref<128x64xf32, #tpu.memory_space<hbm>>
          tpu.wait_dma2 semaphore(%arg27 : memref<!tpu.dma_semaphore, #tpu.memory_space<semaphore_mem>>) src(%arg11 : memref<128x64xf32, #tpu.memory_space<vmem>>) dst(%dma_wait3A_940 : memref<128x64xf32, #tpu.memory_space<hbm>>)
        } else {
        }
        %add3A_856 = arith.constant 1 : i32
        %add3A_857 = arith.addi %add3A_471, %add3A_856 : i32
        %jit3A_858 = arith.constant 4 : i32
        %div3A_859 = arith.divsi %add3A_857, %jit3A_858 : i32
        %sign3A_860 = arith.constant 0 : i32
        %sign3A_861 = arith.cmpi sgt, %add3A_857, %sign3A_860 : i32
        %sign3A_862 = arith.extui %sign3A_861 : i1 to i32
        %sign3A_863 = arith.constant 0 : i32
        %sign3A_864 = arith.cmpi slt, %add3A_857, %sign3A_863 : i32
        %sign3A_865 = arith.extui %sign3A_864 : i1 to i32
        %sign3A_866 = arith.subi %sign3A_862, %sign3A_865 : i32
        %sign3A_867 = arith.constant 0 : i32
        %sign3A_868 = arith.cmpi sgt, %jit3A_858, %sign3A_867 : i32
        %sign3A_869 = arith.extui %sign3A_868 : i1 to i32
        %sign3A_870 = arith.constant 0 : i32
        %sign3A_871 = arith.cmpi slt, %jit3A_858, %sign3A_870 : i32
        %sign3A_872 = arith.extui %sign3A_871 : i1 to i32
        %sign3A_873 = arith.subi %sign3A_869, %sign3A_872 : i32
        %ne3A_874 = arith.cmpi ne, %sign3A_866, %sign3A_873 : i32
        %rem3A_875 = arith.remsi %add3A_857, %jit3A_858 : i32
        %ne3A_876 = arith.constant 0 : i32
        %ne3A_877 = arith.cmpi ne, %rem3A_875, %ne3A_876 : i32
        %and3A_878 = arith.andi %ne3A_874, %ne3A_877 : i1
        %sub3A_879 = arith.constant 1 : i32
        %sub3A_880 = arith.subi %div3A_859, %sub3A_879 : i32
        %select_n3A_881 = arith.select %and3A_878, %sub3A_880, %div3A_859 : i32
        %mul3A_882 = arith.constant 4 : i32
        %mul3A_883 = arith.muli %select_n3A_881, %mul3A_882 : i32
        %sub3A_884 = arith.subi %add3A_857, %mul3A_883 : i32
        %jit3A_885 = arith.constant 8 : i32
        %div3A_886 = arith.divsi %select_n3A_881, %jit3A_885 : i32
        %sign3A_887 = arith.constant 0 : i32
        %sign3A_888 = arith.cmpi sgt, %select_n3A_881, %sign3A_887 : i32
        %sign3A_889 = arith.extui %sign3A_888 : i1 to i32
        %sign3A_890 = arith.constant 0 : i32
        %sign3A_891 = arith.cmpi slt, %select_n3A_881, %sign3A_890 : i32
        %sign3A_892 = arith.extui %sign3A_891 : i1 to i32
        %sign3A_893 = arith.subi %sign3A_889, %sign3A_892 : i32
        %sign3A_894 = arith.constant 0 : i32
        %sign3A_895 = arith.cmpi sgt, %jit3A_885, %sign3A_894 : i32
        %sign3A_896 = arith.extui %sign3A_895 : i1 to i32
        %sign3A_897 = arith.constant 0 : i32
        %sign3A_898 = arith.cmpi slt, %jit3A_885, %sign3A_897 : i32
        %sign3A_899 = arith.extui %sign3A_898 : i1 to i32
        %sign3A_900 = arith.subi %sign3A_896, %sign3A_899 : i32
        %ne3A_901 = arith.cmpi ne, %sign3A_893, %sign3A_900 : i32
        %rem3A_902 = arith.remsi %select_n3A_881, %jit3A_885 : i32
        %ne3A_903 = arith.constant 0 : i32
        %ne3A_904 = arith.cmpi ne, %rem3A_902, %ne3A_903 : i32
        %and3A_905 = arith.andi %ne3A_901, %ne3A_904 : i1
        %sub3A_906 = arith.constant 1 : i32
        %sub3A_907 = arith.subi %div3A_886, %sub3A_906 : i32
        %select_n3A_908 = arith.select %and3A_905, %sub3A_907, %div3A_886 : i32
        %jit3A_909 = arith.constant 8 : i32
        %eq3A_910 = arith.constant 0 : i32
        %eq3A_911 = arith.cmpi eq, %jit3A_909, %eq3A_910 : i32
        %jit3A_912 = arith.constant 1 : i32
        %select_n3A_913 = arith.select %eq3A_911, %jit3A_912, %jit3A_909 : i32
        %rem3A_914 = arith.remsi %select_n3A_881, %select_n3A_913 : i32
        %ne3A_915 = arith.constant 0 : i32
        %ne3A_916 = arith.cmpi ne, %rem3A_914, %ne3A_915 : i32
        %lt3A_917 = arith.constant 0 : i32
        %lt3A_918 = arith.cmpi slt, %rem3A_914, %lt3A_917 : i32
        %lt3A_919 = arith.constant 0 : i32
        %lt3A_920 = arith.cmpi slt, %select_n3A_913, %lt3A_919 : i32
        %ne3A_921 = arith.xori %lt3A_918, %lt3A_920 : i1
        %and3A_922 = arith.andi %ne3A_921, %ne3A_916 : i1
        %add3A_923 = arith.addi %rem3A_914, %select_n3A_913 : i32
        %select_n3A_924 = arith.select %and3A_922, %add3A_923, %rem3A_914 : i32
        %dma_start3A_925 = arith.constant 0 : i32
        %dma_start3A_926 = tpu.memref_slice %arg5[%select_n3A_908, %sub3A_884, %select_n3A_924, %dma_start3A_925] : memref<7x4x8x128xi32, #tpu.memory_space<vmem>> -> memref<1x1x1x128xi32, #tpu.memory_space<vmem>>
        %dma_start3A_927 = tpu.memref_squeeze %dma_start3A_926 : memref<1x1x1x128xi32, #tpu.memory_space<vmem>> -> memref<128xi32, #tpu.memory_space<vmem>>
        %dma_start3A_928 = arith.constant 0 : i32
        %dma_start3A_929 = arith.constant 0 : i32
        %dma_start3A_930 = tpu.memref_slice %arg2[%dma_start3A_928, %dma_start3A_929] : memref<1000000x64xf32, #tpu.memory_space<hbm>> -> memref<1000000x64xf32, #tpu.memory_space<hbm>>
        tpu.enqueue_indirect_dma source(%dma_start3A_930 : memref<1000000x64xf32, #tpu.memory_space<hbm>>) target(%arg11 : memref<128x64xf32, #tpu.memory_space<vmem>>) offsets(%dma_start3A_927 : memref<128xi32, #tpu.memory_space<vmem>>) semaphore(%arg19 : memref<!tpu.dma_semaphore, #tpu.memory_space<semaphore_mem>>)
      } else {
      }
      %dma_wait3A_479 = arith.constant 0 : i32
      %dma_wait3A_480 = arith.constant 0 : i32
      %dma_wait3A_481 = arith.constant 0 : i32
      %dma_wait3A_482 = arith.constant 0 : i32
      %dma_wait3A_483 = tpu.memref_slice %arg5[%dma_wait3A_479, %dma_wait3A_480, %dma_wait3A_481, %dma_wait3A_482] : memref<7x4x8x128xi32, #tpu.memory_space<vmem>> -> memref<1x1x1x128xi32, #tpu.memory_space<vmem>>
      %dma_wait3A_484 = tpu.memref_squeeze %dma_wait3A_483 : memref<1x1x1x128xi32, #tpu.memory_space<vmem>> -> memref<128xi32, #tpu.memory_space<vmem>>
      %dma_wait3A_485 = arith.constant 0 : i32
      %dma_wait3A_486 = arith.constant 0 : i32
      %dma_wait3A_487 = tpu.memref_slice %arg2[%dma_wait3A_485, %dma_wait3A_486] : memref<1000000x64xf32, #tpu.memory_space<hbm>> -> memref<1000000x64xf32, #tpu.memory_space<hbm>>
      tpu.wait_indirect_dma semaphore(%arg18 : memref<!tpu.dma_semaphore, #tpu.memory_space<semaphore_mem>>) src(%dma_wait3A_487 : memref<1000000x64xf32, #tpu.memory_space<hbm>>) dst(%arg10 : memref<128x64xf32, #tpu.memory_space<vmem>>)
      %jit3A_488 = arith.constant 4 : i32
      %div3A_489 = arith.divsi %add3A_471, %jit3A_488 : i32
      %sign3A_490 = arith.constant 0 : i32
      %sign3A_491 = arith.cmpi sgt, %add3A_471, %sign3A_490 : i32
      %sign3A_492 = arith.extui %sign3A_491 : i1 to i32
      %sign3A_493 = arith.constant 0 : i32
      %sign3A_494 = arith.cmpi slt, %add3A_471, %sign3A_493 : i32
      %sign3A_495 = arith.extui %sign3A_494 : i1 to i32
      %sign3A_496 = arith.subi %sign3A_492, %sign3A_495 : i32
      %sign3A_497 = arith.constant 0 : i32
      %sign3A_498 = arith.cmpi sgt, %jit3A_488, %sign3A_497 : i32
      %sign3A_499 = arith.extui %sign3A_498 : i1 to i32
      %sign3A_500 = arith.constant 0 : i32
      %sign3A_501 = arith.cmpi slt, %jit3A_488, %sign3A_500 : i32
      %sign3A_502 = arith.extui %sign3A_501 : i1 to i32
      %sign3A_503 = arith.subi %sign3A_499, %sign3A_502 : i32
      %ne3A_504 = arith.cmpi ne, %sign3A_496, %sign3A_503 : i32
      %rem3A_505 = arith.remsi %add3A_471, %jit3A_488 : i32
      %ne3A_506 = arith.constant 0 : i32
      %ne3A_507 = arith.cmpi ne, %rem3A_505, %ne3A_506 : i32
      %and3A_508 = arith.andi %ne3A_504, %ne3A_507 : i1
      %sub3A_509 = arith.constant 1 : i32
      %sub3A_510 = arith.subi %div3A_489, %sub3A_509 : i32
      %select_n3A_511 = arith.select %and3A_508, %sub3A_510, %div3A_489 : i32
      %mul3A_512 = arith.constant 4 : i32
      %mul3A_513 = arith.muli %select_n3A_511, %mul3A_512 : i32
      %sub3A_514 = arith.subi %add3A_471, %mul3A_513 : i32
      %add3A_515 = arith.addi %mul3A_2, %sub3A_514 : i32
      %mul3A_516 = arith.constant 128 : i32
      %mul3A_517 = arith.muli %add3A_515, %mul3A_516 : i32
      %jit3A_518 = arith.constant 8 : i32
      %div3A_519 = arith.divsi %select_n3A_511, %jit3A_518 : i32
      %sign3A_520 = arith.constant 0 : i32
      %sign3A_521 = arith.cmpi sgt, %select_n3A_511, %sign3A_520 : i32
      %sign3A_522 = arith.extui %sign3A_521 : i1 to i32
      %sign3A_523 = arith.constant 0 : i32
      %sign3A_524 = arith.cmpi slt, %select_n3A_511, %sign3A_523 : i32
      %sign3A_525 = arith.extui %sign3A_524 : i1 to i32
      %sign3A_526 = arith.subi %sign3A_522, %sign3A_525 : i32
      %sign3A_527 = arith.constant 0 : i32
      %sign3A_528 = arith.cmpi sgt, %jit3A_518, %sign3A_527 : i32
      %sign3A_529 = arith.extui %sign3A_528 : i1 to i32
      %sign3A_530 = arith.constant 0 : i32
      %sign3A_531 = arith.cmpi slt, %jit3A_518, %sign3A_530 : i32
      %sign3A_532 = arith.extui %sign3A_531 : i1 to i32
      %sign3A_533 = arith.subi %sign3A_529, %sign3A_532 : i32
      %ne3A_534 = arith.cmpi ne, %sign3A_526, %sign3A_533 : i32
      %rem3A_535 = arith.remsi %select_n3A_511, %jit3A_518 : i32
      %ne3A_536 = arith.constant 0 : i32
      %ne3A_537 = arith.cmpi ne, %rem3A_535, %ne3A_536 : i32
      %and3A_538 = arith.andi %ne3A_534, %ne3A_537 : i1
      %sub3A_539 = arith.constant 1 : i32
      %sub3A_540 = arith.subi %div3A_519, %sub3A_539 : i32
      %select_n3A_541 = arith.select %and3A_538, %sub3A_540, %div3A_519 : i32
      %jit3A_542 = arith.constant 8 : i32
      %eq3A_543 = arith.constant 0 : i32
      %eq3A_544 = arith.cmpi eq, %jit3A_542, %eq3A_543 : i32
      %jit3A_545 = arith.constant 1 : i32
      %select_n3A_546 = arith.select %eq3A_544, %jit3A_545, %jit3A_542 : i32
      %rem3A_547 = arith.remsi %select_n3A_511, %select_n3A_546 : i32
      %ne3A_548 = arith.constant 0 : i32
      %ne3A_549 = arith.cmpi ne, %rem3A_547, %ne3A_548 : i32
      %lt3A_550 = arith.constant 0 : i32
      %lt3A_551 = arith.cmpi slt, %rem3A_547, %lt3A_550 : i32
      %lt3A_552 = arith.constant 0 : i32
      %lt3A_553 = arith.cmpi slt, %select_n3A_546, %lt3A_552 : i32
      %ne3A_554 = arith.xori %lt3A_551, %lt3A_553 : i1
      %and3A_555 = arith.andi %ne3A_554, %ne3A_549 : i1
      %add3A_556 = arith.addi %rem3A_547, %select_n3A_546 : i32
      %select_n3A_557 = arith.select %and3A_555, %add3A_556, %rem3A_547 : i32
      %dma_start3A_558 = arith.constant 0 : i32
      %dma_start3A_559 = tpu.memref_slice %arg4[%mul3A_517, %select_n3A_541, %select_n3A_557, %dma_start3A_558] : memref<16384x7x8x128xf32, #tpu.memory_space<hbm>> -> memref<128x1x1x64xf32, #tpu.memory_space<hbm>>
      %dma_start3A_560 = tpu.memref_squeeze %dma_start3A_559 : memref<128x1x1x64xf32, #tpu.memory_space<hbm>> -> memref<128x64xf32, #tpu.memory_space<hbm>>
      %dma_start3A_561 = arith.constant 0 : i32
      %dma_start3A_562 = tpu.memref_slice %arg4[%mul3A_517, %select_n3A_541, %select_n3A_557, %dma_start3A_561] : memref<16384x7x8x128xf32, #tpu.memory_space<hbm>> -> memref<128x1x1x64xf32, #tpu.memory_space<hbm>>
      %dma_start3A_563 = tpu.memref_squeeze %dma_start3A_562 : memref<128x1x1x64xf32, #tpu.memory_space<hbm>> -> memref<128x64xf32, #tpu.memory_space<hbm>>
      tpu.enqueue_dma source(%arg10 : memref<128x64xf32, #tpu.memory_space<vmem>>) target(%dma_start3A_563 : memref<128x64xf32, #tpu.memory_space<hbm>>) target_semaphore(%arg26 : memref<!tpu.dma_semaphore, #tpu.memory_space<semaphore_mem>>)
      %mul3A_564 = arith.constant 8 : i32
      %mul3A_565 = arith.muli %scan3A_95, %mul3A_564 : i32
      %add3A_566 = arith.constant 5 : i32
      %add3A_567 = arith.addi %mul3A_565, %add3A_566 : i32
      %add3A_568 = arith.constant 1 : i32
      %add3A_569 = arith.addi %add3A_567, %add3A_568 : i32
      %lt3A_570 = arith.constant 200 : i32
      %lt3A_571 = arith.cmpi slt, %add3A_569, %lt3A_570 : i32
      %convert_element_type3A_572 = arith.extui %lt3A_571 : i1 to i32
      %cond3A_573 = arith.constant 0 : i32
      %cond3A_574 = arith.cmpi ne, %convert_element_type3A_572, %cond3A_573 : i32
      scf.if %cond3A_574 {
        %ge3A = arith.constant 7 : i32
        %ge3A_852 = arith.cmpi sge, %add3A_567, %ge3A : i32
        %convert_element_type3A_853 = arith.extui %ge3A_852 : i1 to i32
        %cond3A_854 = arith.constant 0 : i32
        %cond3A_855 = arith.cmpi ne, %convert_element_type3A_853, %cond3A_854 : i32
        scf.if %cond3A_855 {
          %dma_wait3A_931 = arith.constant 0 : i32
          %dma_wait3A_932 = arith.constant 0 : i32
          %dma_wait3A_933 = arith.constant 0 : i32
          %dma_wait3A_934 = arith.constant 0 : i32
          %dma_wait3A_935 = tpu.memref_slice %arg4[%dma_wait3A_933, %dma_wait3A_931, %dma_wait3A_932, %dma_wait3A_934] : memref<16384x7x8x128xf32, #tpu.memory_space<hbm>> -> memref<128x1x1x64xf32, #tpu.memory_space<hbm>>
          %dma_wait3A_936 = tpu.memref_squeeze %dma_wait3A_935 : memref<128x1x1x64xf32, #tpu.memory_space<hbm>> -> memref<128x64xf32, #tpu.memory_space<hbm>>
          %dma_wait3A_937 = arith.constant 0 : i32
          %dma_wait3A_938 = arith.constant 0 : i32
          %dma_wait3A_939 = tpu.memref_slice %arg4[%dma_wait3A_937, %dma_wait3A_931, %dma_wait3A_932, %dma_wait3A_938] : memref<16384x7x8x128xf32, #tpu.memory_space<hbm>> -> memref<128x1x1x64xf32, #tpu.memory_space<hbm>>
          %dma_wait3A_940 = tpu.memref_squeeze %dma_wait3A_939 : memref<128x1x1x64xf32, #tpu.memory_space<hbm>> -> memref<128x64xf32, #tpu.memory_space<hbm>>
          tpu.wait_dma2 semaphore(%arg28 : memref<!tpu.dma_semaphore, #tpu.memory_space<semaphore_mem>>) src(%arg12 : memref<128x64xf32, #tpu.memory_space<vmem>>) dst(%dma_wait3A_940 : memref<128x64xf32, #tpu.memory_space<hbm>>)
        } else {
        }
        %add3A_856 = arith.constant 1 : i32
        %add3A_857 = arith.addi %add3A_567, %add3A_856 : i32
        %jit3A_858 = arith.constant 4 : i32
        %div3A_859 = arith.divsi %add3A_857, %jit3A_858 : i32
        %sign3A_860 = arith.constant 0 : i32
        %sign3A_861 = arith.cmpi sgt, %add3A_857, %sign3A_860 : i32
        %sign3A_862 = arith.extui %sign3A_861 : i1 to i32
        %sign3A_863 = arith.constant 0 : i32
        %sign3A_864 = arith.cmpi slt, %add3A_857, %sign3A_863 : i32
        %sign3A_865 = arith.extui %sign3A_864 : i1 to i32
        %sign3A_866 = arith.subi %sign3A_862, %sign3A_865 : i32
        %sign3A_867 = arith.constant 0 : i32
        %sign3A_868 = arith.cmpi sgt, %jit3A_858, %sign3A_867 : i32
        %sign3A_869 = arith.extui %sign3A_868 : i1 to i32
        %sign3A_870 = arith.constant 0 : i32
        %sign3A_871 = arith.cmpi slt, %jit3A_858, %sign3A_870 : i32
        %sign3A_872 = arith.extui %sign3A_871 : i1 to i32
        %sign3A_873 = arith.subi %sign3A_869, %sign3A_872 : i32
        %ne3A_874 = arith.cmpi ne, %sign3A_866, %sign3A_873 : i32
        %rem3A_875 = arith.remsi %add3A_857, %jit3A_858 : i32
        %ne3A_876 = arith.constant 0 : i32
        %ne3A_877 = arith.cmpi ne, %rem3A_875, %ne3A_876 : i32
        %and3A_878 = arith.andi %ne3A_874, %ne3A_877 : i1
        %sub3A_879 = arith.constant 1 : i32
        %sub3A_880 = arith.subi %div3A_859, %sub3A_879 : i32
        %select_n3A_881 = arith.select %and3A_878, %sub3A_880, %div3A_859 : i32
        %mul3A_882 = arith.constant 4 : i32
        %mul3A_883 = arith.muli %select_n3A_881, %mul3A_882 : i32
        %sub3A_884 = arith.subi %add3A_857, %mul3A_883 : i32
        %jit3A_885 = arith.constant 8 : i32
        %div3A_886 = arith.divsi %select_n3A_881, %jit3A_885 : i32
        %sign3A_887 = arith.constant 0 : i32
        %sign3A_888 = arith.cmpi sgt, %select_n3A_881, %sign3A_887 : i32
        %sign3A_889 = arith.extui %sign3A_888 : i1 to i32
        %sign3A_890 = arith.constant 0 : i32
        %sign3A_891 = arith.cmpi slt, %select_n3A_881, %sign3A_890 : i32
        %sign3A_892 = arith.extui %sign3A_891 : i1 to i32
        %sign3A_893 = arith.subi %sign3A_889, %sign3A_892 : i32
        %sign3A_894 = arith.constant 0 : i32
        %sign3A_895 = arith.cmpi sgt, %jit3A_885, %sign3A_894 : i32
        %sign3A_896 = arith.extui %sign3A_895 : i1 to i32
        %sign3A_897 = arith.constant 0 : i32
        %sign3A_898 = arith.cmpi slt, %jit3A_885, %sign3A_897 : i32
        %sign3A_899 = arith.extui %sign3A_898 : i1 to i32
        %sign3A_900 = arith.subi %sign3A_896, %sign3A_899 : i32
        %ne3A_901 = arith.cmpi ne, %sign3A_893, %sign3A_900 : i32
        %rem3A_902 = arith.remsi %select_n3A_881, %jit3A_885 : i32
        %ne3A_903 = arith.constant 0 : i32
        %ne3A_904 = arith.cmpi ne, %rem3A_902, %ne3A_903 : i32
        %and3A_905 = arith.andi %ne3A_901, %ne3A_904 : i1
        %sub3A_906 = arith.constant 1 : i32
        %sub3A_907 = arith.subi %div3A_886, %sub3A_906 : i32
        %select_n3A_908 = arith.select %and3A_905, %sub3A_907, %div3A_886 : i32
        %jit3A_909 = arith.constant 8 : i32
        %eq3A_910 = arith.constant 0 : i32
        %eq3A_911 = arith.cmpi eq, %jit3A_909, %eq3A_910 : i32
        %jit3A_912 = arith.constant 1 : i32
        %select_n3A_913 = arith.select %eq3A_911, %jit3A_912, %jit3A_909 : i32
        %rem3A_914 = arith.remsi %select_n3A_881, %select_n3A_913 : i32
        %ne3A_915 = arith.constant 0 : i32
        %ne3A_916 = arith.cmpi ne, %rem3A_914, %ne3A_915 : i32
        %lt3A_917 = arith.constant 0 : i32
        %lt3A_918 = arith.cmpi slt, %rem3A_914, %lt3A_917 : i32
        %lt3A_919 = arith.constant 0 : i32
        %lt3A_920 = arith.cmpi slt, %select_n3A_913, %lt3A_919 : i32
        %ne3A_921 = arith.xori %lt3A_918, %lt3A_920 : i1
        %and3A_922 = arith.andi %ne3A_921, %ne3A_916 : i1
        %add3A_923 = arith.addi %rem3A_914, %select_n3A_913 : i32
        %select_n3A_924 = arith.select %and3A_922, %add3A_923, %rem3A_914 : i32
        %dma_start3A_925 = arith.constant 0 : i32
        %dma_start3A_926 = tpu.memref_slice %arg5[%select_n3A_908, %sub3A_884, %select_n3A_924, %dma_start3A_925] : memref<7x4x8x128xi32, #tpu.memory_space<vmem>> -> memref<1x1x1x128xi32, #tpu.memory_space<vmem>>
        %dma_start3A_927 = tpu.memref_squeeze %dma_start3A_926 : memref<1x1x1x128xi32, #tpu.memory_space<vmem>> -> memref<128xi32, #tpu.memory_space<vmem>>
        %dma_start3A_928 = arith.constant 0 : i32
        %dma_start3A_929 = arith.constant 0 : i32
        %dma_start3A_930 = tpu.memref_slice %arg2[%dma_start3A_928, %dma_start3A_929] : memref<1000000x64xf32, #tpu.memory_space<hbm>> -> memref<1000000x64xf32, #tpu.memory_space<hbm>>
        tpu.enqueue_indirect_dma source(%dma_start3A_930 : memref<1000000x64xf32, #tpu.memory_space<hbm>>) target(%arg12 : memref<128x64xf32, #tpu.memory_space<vmem>>) offsets(%dma_start3A_927 : memref<128xi32, #tpu.memory_space<vmem>>) semaphore(%arg20 : memref<!tpu.dma_semaphore, #tpu.memory_space<semaphore_mem>>)
      } else {
      }
      %dma_wait3A_575 = arith.constant 0 : i32
      %dma_wait3A_576 = arith.constant 0 : i32
      %dma_wait3A_577 = arith.constant 0 : i32
      %dma_wait3A_578 = arith.constant 0 : i32
      %dma_wait3A_579 = tpu.memref_slice %arg5[%dma_wait3A_575, %dma_wait3A_576, %dma_wait3A_577, %dma_wait3A_578] : memref<7x4x8x128xi32, #tpu.memory_space<vmem>> -> memref<1x1x1x128xi32, #tpu.memory_space<vmem>>
      %dma_wait3A_580 = tpu.memref_squeeze %dma_wait3A_579 : memref<1x1x1x128xi32, #tpu.memory_space<vmem>> -> memref<128xi32, #tpu.memory_space<vmem>>
      %dma_wait3A_581 = arith.constant 0 : i32
      %dma_wait3A_582 = arith.constant 0 : i32
      %dma_wait3A_583 = tpu.memref_slice %arg2[%dma_wait3A_581, %dma_wait3A_582] : memref<1000000x64xf32, #tpu.memory_space<hbm>> -> memref<1000000x64xf32, #tpu.memory_space<hbm>>
      tpu.wait_indirect_dma semaphore(%arg19 : memref<!tpu.dma_semaphore, #tpu.memory_space<semaphore_mem>>) src(%dma_wait3A_583 : memref<1000000x64xf32, #tpu.memory_space<hbm>>) dst(%arg11 : memref<128x64xf32, #tpu.memory_space<vmem>>)
      %jit3A_584 = arith.constant 4 : i32
      %div3A_585 = arith.divsi %add3A_567, %jit3A_584 : i32
      %sign3A_586 = arith.constant 0 : i32
      %sign3A_587 = arith.cmpi sgt, %add3A_567, %sign3A_586 : i32
      %sign3A_588 = arith.extui %sign3A_587 : i1 to i32
      %sign3A_589 = arith.constant 0 : i32
      %sign3A_590 = arith.cmpi slt, %add3A_567, %sign3A_589 : i32
      %sign3A_591 = arith.extui %sign3A_590 : i1 to i32
      %sign3A_592 = arith.subi %sign3A_588, %sign3A_591 : i32
      %sign3A_593 = arith.constant 0 : i32
      %sign3A_594 = arith.cmpi sgt, %jit3A_584, %sign3A_593 : i32
      %sign3A_595 = arith.extui %sign3A_594 : i1 to i32
      %sign3A_596 = arith.constant 0 : i32
      %sign3A_597 = arith.cmpi slt, %jit3A_584, %sign3A_596 : i32
      %sign3A_598 = arith.extui %sign3A_597 : i1 to i32
      %sign3A_599 = arith.subi %sign3A_595, %sign3A_598 : i32
      %ne3A_600 = arith.cmpi ne, %sign3A_592, %sign3A_599 : i32
      %rem3A_601 = arith.remsi %add3A_567, %jit3A_584 : i32
      %ne3A_602 = arith.constant 0 : i32
      %ne3A_603 = arith.cmpi ne, %rem3A_601, %ne3A_602 : i32
      %and3A_604 = arith.andi %ne3A_600, %ne3A_603 : i1
      %sub3A_605 = arith.constant 1 : i32
      %sub3A_606 = arith.subi %div3A_585, %sub3A_605 : i32
      %select_n3A_607 = arith.select %and3A_604, %sub3A_606, %div3A_585 : i32
      %mul3A_608 = arith.constant 4 : i32
      %mul3A_609 = arith.muli %select_n3A_607, %mul3A_608 : i32
      %sub3A_610 = arith.subi %add3A_567, %mul3A_609 : i32
      %add3A_611 = arith.addi %mul3A_2, %sub3A_610 : i32
      %mul3A_612 = arith.constant 128 : i32
      %mul3A_613 = arith.muli %add3A_611, %mul3A_612 : i32
      %jit3A_614 = arith.constant 8 : i32
      %div3A_615 = arith.divsi %select_n3A_607, %jit3A_614 : i32
      %sign3A_616 = arith.constant 0 : i32
      %sign3A_617 = arith.cmpi sgt, %select_n3A_607, %sign3A_616 : i32
      %sign3A_618 = arith.extui %sign3A_617 : i1 to i32
      %sign3A_619 = arith.constant 0 : i32
      %sign3A_620 = arith.cmpi slt, %select_n3A_607, %sign3A_619 : i32
      %sign3A_621 = arith.extui %sign3A_620 : i1 to i32
      %sign3A_622 = arith.subi %sign3A_618, %sign3A_621 : i32
      %sign3A_623 = arith.constant 0 : i32
      %sign3A_624 = arith.cmpi sgt, %jit3A_614, %sign3A_623 : i32
      %sign3A_625 = arith.extui %sign3A_624 : i1 to i32
      %sign3A_626 = arith.constant 0 : i32
      %sign3A_627 = arith.cmpi slt, %jit3A_614, %sign3A_626 : i32
      %sign3A_628 = arith.extui %sign3A_627 : i1 to i32
      %sign3A_629 = arith.subi %sign3A_625, %sign3A_628 : i32
      %ne3A_630 = arith.cmpi ne, %sign3A_622, %sign3A_629 : i32
      %rem3A_631 = arith.remsi %select_n3A_607, %jit3A_614 : i32
      %ne3A_632 = arith.constant 0 : i32
      %ne3A_633 = arith.cmpi ne, %rem3A_631, %ne3A_632 : i32
      %and3A_634 = arith.andi %ne3A_630, %ne3A_633 : i1
      %sub3A_635 = arith.constant 1 : i32
      %sub3A_636 = arith.subi %div3A_615, %sub3A_635 : i32
      %select_n3A_637 = arith.select %and3A_634, %sub3A_636, %div3A_615 : i32
      %jit3A_638 = arith.constant 8 : i32
      %eq3A_639 = arith.constant 0 : i32
      %eq3A_640 = arith.cmpi eq, %jit3A_638, %eq3A_639 : i32
      %jit3A_641 = arith.constant 1 : i32
      %select_n3A_642 = arith.select %eq3A_640, %jit3A_641, %jit3A_638 : i32
      %rem3A_643 = arith.remsi %select_n3A_607, %select_n3A_642 : i32
      %ne3A_644 = arith.constant 0 : i32
      %ne3A_645 = arith.cmpi ne, %rem3A_643, %ne3A_644 : i32
      %lt3A_646 = arith.constant 0 : i32
      %lt3A_647 = arith.cmpi slt, %rem3A_643, %lt3A_646 : i32
      %lt3A_648 = arith.constant 0 : i32
      %lt3A_649 = arith.cmpi slt, %select_n3A_642, %lt3A_648 : i32
      %ne3A_650 = arith.xori %lt3A_647, %lt3A_649 : i1
      %and3A_651 = arith.andi %ne3A_650, %ne3A_645 : i1
      %add3A_652 = arith.addi %rem3A_643, %select_n3A_642 : i32
      %select_n3A_653 = arith.select %and3A_651, %add3A_652, %rem3A_643 : i32
      %dma_start3A_654 = arith.constant 0 : i32
      %dma_start3A_655 = tpu.memref_slice %arg4[%mul3A_613, %select_n3A_637, %select_n3A_653, %dma_start3A_654] : memref<16384x7x8x128xf32, #tpu.memory_space<hbm>> -> memref<128x1x1x64xf32, #tpu.memory_space<hbm>>
      %dma_start3A_656 = tpu.memref_squeeze %dma_start3A_655 : memref<128x1x1x64xf32, #tpu.memory_space<hbm>> -> memref<128x64xf32, #tpu.memory_space<hbm>>
      %dma_start3A_657 = arith.constant 0 : i32
      %dma_start3A_658 = tpu.memref_slice %arg4[%mul3A_613, %select_n3A_637, %select_n3A_653, %dma_start3A_657] : memref<16384x7x8x128xf32, #tpu.memory_space<hbm>> -> memref<128x1x1x64xf32, #tpu.memory_space<hbm>>
      %dma_start3A_659 = tpu.memref_squeeze %dma_start3A_658 : memref<128x1x1x64xf32, #tpu.memory_space<hbm>> -> memref<128x64xf32, #tpu.memory_space<hbm>>
      tpu.enqueue_dma source(%arg11 : memref<128x64xf32, #tpu.memory_space<vmem>>) target(%dma_start3A_659 : memref<128x64xf32, #tpu.memory_space<hbm>>) target_semaphore(%arg27 : memref<!tpu.dma_semaphore, #tpu.memory_space<semaphore_mem>>)
      %mul3A_660 = arith.constant 8 : i32
      %mul3A_661 = arith.muli %scan3A_95, %mul3A_660 : i32
      %add3A_662 = arith.constant 6 : i32
      %add3A_663 = arith.addi %mul3A_661, %add3A_662 : i32
      %add3A_664 = arith.constant 1 : i32
      %add3A_665 = arith.addi %add3A_663, %add3A_664 : i32
      %lt3A_666 = arith.constant 200 : i32
      %lt3A_667 = arith.cmpi slt, %add3A_665, %lt3A_666 : i32
      %convert_element_type3A_668 = arith.extui %lt3A_667 : i1 to i32
      %cond3A_669 = arith.constant 0 : i32
      %cond3A_670 = arith.cmpi ne, %convert_element_type3A_668, %cond3A_669 : i32
      scf.if %cond3A_670 {
        %ge3A = arith.constant 7 : i32
        %ge3A_852 = arith.cmpi sge, %add3A_663, %ge3A : i32
        %convert_element_type3A_853 = arith.extui %ge3A_852 : i1 to i32
        %cond3A_854 = arith.constant 0 : i32
        %cond3A_855 = arith.cmpi ne, %convert_element_type3A_853, %cond3A_854 : i32
        scf.if %cond3A_855 {
          %dma_wait3A_931 = arith.constant 0 : i32
          %dma_wait3A_932 = arith.constant 0 : i32
          %dma_wait3A_933 = arith.constant 0 : i32
          %dma_wait3A_934 = arith.constant 0 : i32
          %dma_wait3A_935 = tpu.memref_slice %arg4[%dma_wait3A_933, %dma_wait3A_931, %dma_wait3A_932, %dma_wait3A_934] : memref<16384x7x8x128xf32, #tpu.memory_space<hbm>> -> memref<128x1x1x64xf32, #tpu.memory_space<hbm>>
          %dma_wait3A_936 = tpu.memref_squeeze %dma_wait3A_935 : memref<128x1x1x64xf32, #tpu.memory_space<hbm>> -> memref<128x64xf32, #tpu.memory_space<hbm>>
          %dma_wait3A_937 = arith.constant 0 : i32
          %dma_wait3A_938 = arith.constant 0 : i32
          %dma_wait3A_939 = tpu.memref_slice %arg4[%dma_wait3A_937, %dma_wait3A_931, %dma_wait3A_932, %dma_wait3A_938] : memref<16384x7x8x128xf32, #tpu.memory_space<hbm>> -> memref<128x1x1x64xf32, #tpu.memory_space<hbm>>
          %dma_wait3A_940 = tpu.memref_squeeze %dma_wait3A_939 : memref<128x1x1x64xf32, #tpu.memory_space<hbm>> -> memref<128x64xf32, #tpu.memory_space<hbm>>
          tpu.wait_dma2 semaphore(%arg29 : memref<!tpu.dma_semaphore, #tpu.memory_space<semaphore_mem>>) src(%arg13 : memref<128x64xf32, #tpu.memory_space<vmem>>) dst(%dma_wait3A_940 : memref<128x64xf32, #tpu.memory_space<hbm>>)
        } else {
        }
        %add3A_856 = arith.constant 1 : i32
        %add3A_857 = arith.addi %add3A_663, %add3A_856 : i32
        %jit3A_858 = arith.constant 4 : i32
        %div3A_859 = arith.divsi %add3A_857, %jit3A_858 : i32
        %sign3A_860 = arith.constant 0 : i32
        %sign3A_861 = arith.cmpi sgt, %add3A_857, %sign3A_860 : i32
        %sign3A_862 = arith.extui %sign3A_861 : i1 to i32
        %sign3A_863 = arith.constant 0 : i32
        %sign3A_864 = arith.cmpi slt, %add3A_857, %sign3A_863 : i32
        %sign3A_865 = arith.extui %sign3A_864 : i1 to i32
        %sign3A_866 = arith.subi %sign3A_862, %sign3A_865 : i32
        %sign3A_867 = arith.constant 0 : i32
        %sign3A_868 = arith.cmpi sgt, %jit3A_858, %sign3A_867 : i32
        %sign3A_869 = arith.extui %sign3A_868 : i1 to i32
        %sign3A_870 = arith.constant 0 : i32
        %sign3A_871 = arith.cmpi slt, %jit3A_858, %sign3A_870 : i32
        %sign3A_872 = arith.extui %sign3A_871 : i1 to i32
        %sign3A_873 = arith.subi %sign3A_869, %sign3A_872 : i32
        %ne3A_874 = arith.cmpi ne, %sign3A_866, %sign3A_873 : i32
        %rem3A_875 = arith.remsi %add3A_857, %jit3A_858 : i32
        %ne3A_876 = arith.constant 0 : i32
        %ne3A_877 = arith.cmpi ne, %rem3A_875, %ne3A_876 : i32
        %and3A_878 = arith.andi %ne3A_874, %ne3A_877 : i1
        %sub3A_879 = arith.constant 1 : i32
        %sub3A_880 = arith.subi %div3A_859, %sub3A_879 : i32
        %select_n3A_881 = arith.select %and3A_878, %sub3A_880, %div3A_859 : i32
        %mul3A_882 = arith.constant 4 : i32
        %mul3A_883 = arith.muli %select_n3A_881, %mul3A_882 : i32
        %sub3A_884 = arith.subi %add3A_857, %mul3A_883 : i32
        %jit3A_885 = arith.constant 8 : i32
        %div3A_886 = arith.divsi %select_n3A_881, %jit3A_885 : i32
        %sign3A_887 = arith.constant 0 : i32
        %sign3A_888 = arith.cmpi sgt, %select_n3A_881, %sign3A_887 : i32
        %sign3A_889 = arith.extui %sign3A_888 : i1 to i32
        %sign3A_890 = arith.constant 0 : i32
        %sign3A_891 = arith.cmpi slt, %select_n3A_881, %sign3A_890 : i32
        %sign3A_892 = arith.extui %sign3A_891 : i1 to i32
        %sign3A_893 = arith.subi %sign3A_889, %sign3A_892 : i32
        %sign3A_894 = arith.constant 0 : i32
        %sign3A_895 = arith.cmpi sgt, %jit3A_885, %sign3A_894 : i32
        %sign3A_896 = arith.extui %sign3A_895 : i1 to i32
        %sign3A_897 = arith.constant 0 : i32
        %sign3A_898 = arith.cmpi slt, %jit3A_885, %sign3A_897 : i32
        %sign3A_899 = arith.extui %sign3A_898 : i1 to i32
        %sign3A_900 = arith.subi %sign3A_896, %sign3A_899 : i32
        %ne3A_901 = arith.cmpi ne, %sign3A_893, %sign3A_900 : i32
        %rem3A_902 = arith.remsi %select_n3A_881, %jit3A_885 : i32
        %ne3A_903 = arith.constant 0 : i32
        %ne3A_904 = arith.cmpi ne, %rem3A_902, %ne3A_903 : i32
        %and3A_905 = arith.andi %ne3A_901, %ne3A_904 : i1
        %sub3A_906 = arith.constant 1 : i32
        %sub3A_907 = arith.subi %div3A_886, %sub3A_906 : i32
        %select_n3A_908 = arith.select %and3A_905, %sub3A_907, %div3A_886 : i32
        %jit3A_909 = arith.constant 8 : i32
        %eq3A_910 = arith.constant 0 : i32
        %eq3A_911 = arith.cmpi eq, %jit3A_909, %eq3A_910 : i32
        %jit3A_912 = arith.constant 1 : i32
        %select_n3A_913 = arith.select %eq3A_911, %jit3A_912, %jit3A_909 : i32
        %rem3A_914 = arith.remsi %select_n3A_881, %select_n3A_913 : i32
        %ne3A_915 = arith.constant 0 : i32
        %ne3A_916 = arith.cmpi ne, %rem3A_914, %ne3A_915 : i32
        %lt3A_917 = arith.constant 0 : i32
        %lt3A_918 = arith.cmpi slt, %rem3A_914, %lt3A_917 : i32
        %lt3A_919 = arith.constant 0 : i32
        %lt3A_920 = arith.cmpi slt, %select_n3A_913, %lt3A_919 : i32
        %ne3A_921 = arith.xori %lt3A_918, %lt3A_920 : i1
        %and3A_922 = arith.andi %ne3A_921, %ne3A_916 : i1
        %add3A_923 = arith.addi %rem3A_914, %select_n3A_913 : i32
        %select_n3A_924 = arith.select %and3A_922, %add3A_923, %rem3A_914 : i32
        %dma_start3A_925 = arith.constant 0 : i32
        %dma_start3A_926 = tpu.memref_slice %arg5[%select_n3A_908, %sub3A_884, %select_n3A_924, %dma_start3A_925] : memref<7x4x8x128xi32, #tpu.memory_space<vmem>> -> memref<1x1x1x128xi32, #tpu.memory_space<vmem>>
        %dma_start3A_927 = tpu.memref_squeeze %dma_start3A_926 : memref<1x1x1x128xi32, #tpu.memory_space<vmem>> -> memref<128xi32, #tpu.memory_space<vmem>>
        %dma_start3A_928 = arith.constant 0 : i32
        %dma_start3A_929 = arith.constant 0 : i32
        %dma_start3A_930 = tpu.memref_slice %arg2[%dma_start3A_928, %dma_start3A_929] : memref<1000000x64xf32, #tpu.memory_space<hbm>> -> memref<1000000x64xf32, #tpu.memory_space<hbm>>
        tpu.enqueue_indirect_dma source(%dma_start3A_930 : memref<1000000x64xf32, #tpu.memory_space<hbm>>) target(%arg13 : memref<128x64xf32, #tpu.memory_space<vmem>>) offsets(%dma_start3A_927 : memref<128xi32, #tpu.memory_space<vmem>>) semaphore(%arg21 : memref<!tpu.dma_semaphore, #tpu.memory_space<semaphore_mem>>)
      } else {
      }
      %dma_wait3A_671 = arith.constant 0 : i32
      %dma_wait3A_672 = arith.constant 0 : i32
      %dma_wait3A_673 = arith.constant 0 : i32
      %dma_wait3A_674 = arith.constant 0 : i32
      %dma_wait3A_675 = tpu.memref_slice %arg5[%dma_wait3A_671, %dma_wait3A_672, %dma_wait3A_673, %dma_wait3A_674] : memref<7x4x8x128xi32, #tpu.memory_space<vmem>> -> memref<1x1x1x128xi32, #tpu.memory_space<vmem>>
      %dma_wait3A_676 = tpu.memref_squeeze %dma_wait3A_675 : memref<1x1x1x128xi32, #tpu.memory_space<vmem>> -> memref<128xi32, #tpu.memory_space<vmem>>
      %dma_wait3A_677 = arith.constant 0 : i32
      %dma_wait3A_678 = arith.constant 0 : i32
      %dma_wait3A_679 = tpu.memref_slice %arg2[%dma_wait3A_677, %dma_wait3A_678] : memref<1000000x64xf32, #tpu.memory_space<hbm>> -> memref<1000000x64xf32, #tpu.memory_space<hbm>>
      tpu.wait_indirect_dma semaphore(%arg20 : memref<!tpu.dma_semaphore, #tpu.memory_space<semaphore_mem>>) src(%dma_wait3A_679 : memref<1000000x64xf32, #tpu.memory_space<hbm>>) dst(%arg12 : memref<128x64xf32, #tpu.memory_space<vmem>>)
      %jit3A_680 = arith.constant 4 : i32
      %div3A_681 = arith.divsi %add3A_663, %jit3A_680 : i32
      %sign3A_682 = arith.constant 0 : i32
      %sign3A_683 = arith.cmpi sgt, %add3A_663, %sign3A_682 : i32
      %sign3A_684 = arith.extui %sign3A_683 : i1 to i32
      %sign3A_685 = arith.constant 0 : i32
      %sign3A_686 = arith.cmpi slt, %add3A_663, %sign3A_685 : i32
      %sign3A_687 = arith.extui %sign3A_686 : i1 to i32
      %sign3A_688 = arith.subi %sign3A_684, %sign3A_687 : i32
      %sign3A_689 = arith.constant 0 : i32
      %sign3A_690 = arith.cmpi sgt, %jit3A_680, %sign3A_689 : i32
      %sign3A_691 = arith.extui %sign3A_690 : i1 to i32
      %sign3A_692 = arith.constant 0 : i32
      %sign3A_693 = arith.cmpi slt, %jit3A_680, %sign3A_692 : i32
      %sign3A_694 = arith.extui %sign3A_693 : i1 to i32
      %sign3A_695 = arith.subi %sign3A_691, %sign3A_694 : i32
      %ne3A_696 = arith.cmpi ne, %sign3A_688, %sign3A_695 : i32
      %rem3A_697 = arith.remsi %add3A_663, %jit3A_680 : i32
      %ne3A_698 = arith.constant 0 : i32
      %ne3A_699 = arith.cmpi ne, %rem3A_697, %ne3A_698 : i32
      %and3A_700 = arith.andi %ne3A_696, %ne3A_699 : i1
      %sub3A_701 = arith.constant 1 : i32
      %sub3A_702 = arith.subi %div3A_681, %sub3A_701 : i32
      %select_n3A_703 = arith.select %and3A_700, %sub3A_702, %div3A_681 : i32
      %mul3A_704 = arith.constant 4 : i32
      %mul3A_705 = arith.muli %select_n3A_703, %mul3A_704 : i32
      %sub3A_706 = arith.subi %add3A_663, %mul3A_705 : i32
      %add3A_707 = arith.addi %mul3A_2, %sub3A_706 : i32
      %mul3A_708 = arith.constant 128 : i32
      %mul3A_709 = arith.muli %add3A_707, %mul3A_708 : i32
      %jit3A_710 = arith.constant 8 : i32
      %div3A_711 = arith.divsi %select_n3A_703, %jit3A_710 : i32
      %sign3A_712 = arith.constant 0 : i32
      %sign3A_713 = arith.cmpi sgt, %select_n3A_703, %sign3A_712 : i32
      %sign3A_714 = arith.extui %sign3A_713 : i1 to i32
      %sign3A_715 = arith.constant 0 : i32
      %sign3A_716 = arith.cmpi slt, %select_n3A_703, %sign3A_715 : i32
      %sign3A_717 = arith.extui %sign3A_716 : i1 to i32
      %sign3A_718 = arith.subi %sign3A_714, %sign3A_717 : i32
      %sign3A_719 = arith.constant 0 : i32
      %sign3A_720 = arith.cmpi sgt, %jit3A_710, %sign3A_719 : i32
      %sign3A_721 = arith.extui %sign3A_720 : i1 to i32
      %sign3A_722 = arith.constant 0 : i32
      %sign3A_723 = arith.cmpi slt, %jit3A_710, %sign3A_722 : i32
      %sign3A_724 = arith.extui %sign3A_723 : i1 to i32
      %sign3A_725 = arith.subi %sign3A_721, %sign3A_724 : i32
      %ne3A_726 = arith.cmpi ne, %sign3A_718, %sign3A_725 : i32
      %rem3A_727 = arith.remsi %select_n3A_703, %jit3A_710 : i32
      %ne3A_728 = arith.constant 0 : i32
      %ne3A_729 = arith.cmpi ne, %rem3A_727, %ne3A_728 : i32
      %and3A_730 = arith.andi %ne3A_726, %ne3A_729 : i1
      %sub3A_731 = arith.constant 1 : i32
      %sub3A_732 = arith.subi %div3A_711, %sub3A_731 : i32
      %select_n3A_733 = arith.select %and3A_730, %sub3A_732, %div3A_711 : i32
      %jit3A_734 = arith.constant 8 : i32
      %eq3A_735 = arith.constant 0 : i32
      %eq3A_736 = arith.cmpi eq, %jit3A_734, %eq3A_735 : i32
      %jit3A_737 = arith.constant 1 : i32
      %select_n3A_738 = arith.select %eq3A_736, %jit3A_737, %jit3A_734 : i32
      %rem3A_739 = arith.remsi %select_n3A_703, %select_n3A_738 : i32
      %ne3A_740 = arith.constant 0 : i32
      %ne3A_741 = arith.cmpi ne, %rem3A_739, %ne3A_740 : i32
      %lt3A_742 = arith.constant 0 : i32
      %lt3A_743 = arith.cmpi slt, %rem3A_739, %lt3A_742 : i32
      %lt3A_744 = arith.constant 0 : i32
      %lt3A_745 = arith.cmpi slt, %select_n3A_738, %lt3A_744 : i32
      %ne3A_746 = arith.xori %lt3A_743, %lt3A_745 : i1
      %and3A_747 = arith.andi %ne3A_746, %ne3A_741 : i1
      %add3A_748 = arith.addi %rem3A_739, %select_n3A_738 : i32
      %select_n3A_749 = arith.select %and3A_747, %add3A_748, %rem3A_739 : i32
      %dma_start3A_750 = arith.constant 0 : i32
      %dma_start3A_751 = tpu.memref_slice %arg4[%mul3A_709, %select_n3A_733, %select_n3A_749, %dma_start3A_750] : memref<16384x7x8x128xf32, #tpu.memory_space<hbm>> -> memref<128x1x1x64xf32, #tpu.memory_space<hbm>>
      %dma_start3A_752 = tpu.memref_squeeze %dma_start3A_751 : memref<128x1x1x64xf32, #tpu.memory_space<hbm>> -> memref<128x64xf32, #tpu.memory_space<hbm>>
      %dma_start3A_753 = arith.constant 0 : i32
      %dma_start3A_754 = tpu.memref_slice %arg4[%mul3A_709, %select_n3A_733, %select_n3A_749, %dma_start3A_753] : memref<16384x7x8x128xf32, #tpu.memory_space<hbm>> -> memref<128x1x1x64xf32, #tpu.memory_space<hbm>>
      %dma_start3A_755 = tpu.memref_squeeze %dma_start3A_754 : memref<128x1x1x64xf32, #tpu.memory_space<hbm>> -> memref<128x64xf32, #tpu.memory_space<hbm>>
      tpu.enqueue_dma source(%arg12 : memref<128x64xf32, #tpu.memory_space<vmem>>) target(%dma_start3A_755 : memref<128x64xf32, #tpu.memory_space<hbm>>) target_semaphore(%arg28 : memref<!tpu.dma_semaphore, #tpu.memory_space<semaphore_mem>>)
      %mul3A_756 = arith.constant 8 : i32
      %mul3A_757 = arith.muli %scan3A_95, %mul3A_756 : i32
      %add3A_758 = arith.constant 7 : i32
      %add3A_759 = arith.addi %mul3A_757, %add3A_758 : i32
      %add3A_760 = arith.constant 1 : i32
      %add3A_761 = arith.addi %add3A_759, %add3A_760 : i32
      %lt3A_762 = arith.constant 200 : i32
      %lt3A_763 = arith.cmpi slt, %add3A_761, %lt3A_762 : i32
      %convert_element_type3A_764 = arith.extui %lt3A_763 : i1 to i32
      %cond3A_765 = arith.constant 0 : i32
      %cond3A_766 = arith.cmpi ne, %convert_element_type3A_764, %cond3A_765 : i32
      scf.if %cond3A_766 {
        %ge3A = arith.constant 7 : i32
        %ge3A_852 = arith.cmpi sge, %add3A_759, %ge3A : i32
        %convert_element_type3A_853 = arith.extui %ge3A_852 : i1 to i32
        %cond3A_854 = arith.constant 0 : i32
        %cond3A_855 = arith.cmpi ne, %convert_element_type3A_853, %cond3A_854 : i32
        scf.if %cond3A_855 {
          %dma_wait3A_931 = arith.constant 0 : i32
          %dma_wait3A_932 = arith.constant 0 : i32
          %dma_wait3A_933 = arith.constant 0 : i32
          %dma_wait3A_934 = arith.constant 0 : i32
          %dma_wait3A_935 = tpu.memref_slice %arg4[%dma_wait3A_933, %dma_wait3A_931, %dma_wait3A_932, %dma_wait3A_934] : memref<16384x7x8x128xf32, #tpu.memory_space<hbm>> -> memref<128x1x1x64xf32, #tpu.memory_space<hbm>>
          %dma_wait3A_936 = tpu.memref_squeeze %dma_wait3A_935 : memref<128x1x1x64xf32, #tpu.memory_space<hbm>> -> memref<128x64xf32, #tpu.memory_space<hbm>>
          %dma_wait3A_937 = arith.constant 0 : i32
          %dma_wait3A_938 = arith.constant 0 : i32
          %dma_wait3A_939 = tpu.memref_slice %arg4[%dma_wait3A_937, %dma_wait3A_931, %dma_wait3A_932, %dma_wait3A_938] : memref<16384x7x8x128xf32, #tpu.memory_space<hbm>> -> memref<128x1x1x64xf32, #tpu.memory_space<hbm>>
          %dma_wait3A_940 = tpu.memref_squeeze %dma_wait3A_939 : memref<128x1x1x64xf32, #tpu.memory_space<hbm>> -> memref<128x64xf32, #tpu.memory_space<hbm>>
          tpu.wait_dma2 semaphore(%arg22 : memref<!tpu.dma_semaphore, #tpu.memory_space<semaphore_mem>>) src(%arg6 : memref<128x64xf32, #tpu.memory_space<vmem>>) dst(%dma_wait3A_940 : memref<128x64xf32, #tpu.memory_space<hbm>>)
        } else {
        }
        %add3A_856 = arith.constant 1 : i32
        %add3A_857 = arith.addi %add3A_759, %add3A_856 : i32
        %jit3A_858 = arith.constant 4 : i32
        %div3A_859 = arith.divsi %add3A_857, %jit3A_858 : i32
        %sign3A_860 = arith.constant 0 : i32
        %sign3A_861 = arith.cmpi sgt, %add3A_857, %sign3A_860 : i32
        %sign3A_862 = arith.extui %sign3A_861 : i1 to i32
        %sign3A_863 = arith.constant 0 : i32
        %sign3A_864 = arith.cmpi slt, %add3A_857, %sign3A_863 : i32
        %sign3A_865 = arith.extui %sign3A_864 : i1 to i32
        %sign3A_866 = arith.subi %sign3A_862, %sign3A_865 : i32
        %sign3A_867 = arith.constant 0 : i32
        %sign3A_868 = arith.cmpi sgt, %jit3A_858, %sign3A_867 : i32
        %sign3A_869 = arith.extui %sign3A_868 : i1 to i32
        %sign3A_870 = arith.constant 0 : i32
        %sign3A_871 = arith.cmpi slt, %jit3A_858, %sign3A_870 : i32
        %sign3A_872 = arith.extui %sign3A_871 : i1 to i32
        %sign3A_873 = arith.subi %sign3A_869, %sign3A_872 : i32
        %ne3A_874 = arith.cmpi ne, %sign3A_866, %sign3A_873 : i32
        %rem3A_875 = arith.remsi %add3A_857, %jit3A_858 : i32
        %ne3A_876 = arith.constant 0 : i32
        %ne3A_877 = arith.cmpi ne, %rem3A_875, %ne3A_876 : i32
        %and3A_878 = arith.andi %ne3A_874, %ne3A_877 : i1
        %sub3A_879 = arith.constant 1 : i32
        %sub3A_880 = arith.subi %div3A_859, %sub3A_879 : i32
        %select_n3A_881 = arith.select %and3A_878, %sub3A_880, %div3A_859 : i32
        %mul3A_882 = arith.constant 4 : i32
        %mul3A_883 = arith.muli %select_n3A_881, %mul3A_882 : i32
        %sub3A_884 = arith.subi %add3A_857, %mul3A_883 : i32
        %jit3A_885 = arith.constant 8 : i32
        %div3A_886 = arith.divsi %select_n3A_881, %jit3A_885 : i32
        %sign3A_887 = arith.constant 0 : i32
        %sign3A_888 = arith.cmpi sgt, %select_n3A_881, %sign3A_887 : i32
        %sign3A_889 = arith.extui %sign3A_888 : i1 to i32
        %sign3A_890 = arith.constant 0 : i32
        %sign3A_891 = arith.cmpi slt, %select_n3A_881, %sign3A_890 : i32
        %sign3A_892 = arith.extui %sign3A_891 : i1 to i32
        %sign3A_893 = arith.subi %sign3A_889, %sign3A_892 : i32
        %sign3A_894 = arith.constant 0 : i32
        %sign3A_895 = arith.cmpi sgt, %jit3A_885, %sign3A_894 : i32
        %sign3A_896 = arith.extui %sign3A_895 : i1 to i32
        %sign3A_897 = arith.constant 0 : i32
        %sign3A_898 = arith.cmpi slt, %jit3A_885, %sign3A_897 : i32
        %sign3A_899 = arith.extui %sign3A_898 : i1 to i32
        %sign3A_900 = arith.subi %sign3A_896, %sign3A_899 : i32
        %ne3A_901 = arith.cmpi ne, %sign3A_893, %sign3A_900 : i32
        %rem3A_902 = arith.remsi %select_n3A_881, %jit3A_885 : i32
        %ne3A_903 = arith.constant 0 : i32
        %ne3A_904 = arith.cmpi ne, %rem3A_902, %ne3A_903 : i32
        %and3A_905 = arith.andi %ne3A_901, %ne3A_904 : i1
        %sub3A_906 = arith.constant 1 : i32
        %sub3A_907 = arith.subi %div3A_886, %sub3A_906 : i32
        %select_n3A_908 = arith.select %and3A_905, %sub3A_907, %div3A_886 : i32
        %jit3A_909 = arith.constant 8 : i32
        %eq3A_910 = arith.constant 0 : i32
        %eq3A_911 = arith.cmpi eq, %jit3A_909, %eq3A_910 : i32
        %jit3A_912 = arith.constant 1 : i32
        %select_n3A_913 = arith.select %eq3A_911, %jit3A_912, %jit3A_909 : i32
        %rem3A_914 = arith.remsi %select_n3A_881, %select_n3A_913 : i32
        %ne3A_915 = arith.constant 0 : i32
        %ne3A_916 = arith.cmpi ne, %rem3A_914, %ne3A_915 : i32
        %lt3A_917 = arith.constant 0 : i32
        %lt3A_918 = arith.cmpi slt, %rem3A_914, %lt3A_917 : i32
        %lt3A_919 = arith.constant 0 : i32
        %lt3A_920 = arith.cmpi slt, %select_n3A_913, %lt3A_919 : i32
        %ne3A_921 = arith.xori %lt3A_918, %lt3A_920 : i1
        %and3A_922 = arith.andi %ne3A_921, %ne3A_916 : i1
        %add3A_923 = arith.addi %rem3A_914, %select_n3A_913 : i32
        %select_n3A_924 = arith.select %and3A_922, %add3A_923, %rem3A_914 : i32
        %dma_start3A_925 = arith.constant 0 : i32
        %dma_start3A_926 = tpu.memref_slice %arg5[%select_n3A_908, %sub3A_884, %select_n3A_924, %dma_start3A_925] : memref<7x4x8x128xi32, #tpu.memory_space<vmem>> -> memref<1x1x1x128xi32, #tpu.memory_space<vmem>>
        %dma_start3A_927 = tpu.memref_squeeze %dma_start3A_926 : memref<1x1x1x128xi32, #tpu.memory_space<vmem>> -> memref<128xi32, #tpu.memory_space<vmem>>
        %dma_start3A_928 = arith.constant 0 : i32
        %dma_start3A_929 = arith.constant 0 : i32
        %dma_start3A_930 = tpu.memref_slice %arg2[%dma_start3A_928, %dma_start3A_929] : memref<1000000x64xf32, #tpu.memory_space<hbm>> -> memref<1000000x64xf32, #tpu.memory_space<hbm>>
        tpu.enqueue_indirect_dma source(%dma_start3A_930 : memref<1000000x64xf32, #tpu.memory_space<hbm>>) target(%arg6 : memref<128x64xf32, #tpu.memory_space<vmem>>) offsets(%dma_start3A_927 : memref<128xi32, #tpu.memory_space<vmem>>) semaphore(%arg14 : memref<!tpu.dma_semaphore, #tpu.memory_space<semaphore_mem>>)
      } else {
      }
      %dma_wait3A_767 = arith.constant 0 : i32
      %dma_wait3A_768 = arith.constant 0 : i32
      %dma_wait3A_769 = arith.constant 0 : i32
      %dma_wait3A_770 = arith.constant 0 : i32
      %dma_wait3A_771 = tpu.memref_slice %arg5[%dma_wait3A_767, %dma_wait3A_768, %dma_wait3A_769, %dma_wait3A_770] : memref<7x4x8x128xi32, #tpu.memory_space<vmem>> -> memref<1x1x1x128xi32, #tpu.memory_space<vmem>>
      %dma_wait3A_772 = tpu.memref_squeeze %dma_wait3A_771 : memref<1x1x1x128xi32, #tpu.memory_space<vmem>> -> memref<128xi32, #tpu.memory_space<vmem>>
      %dma_wait3A_773 = arith.constant 0 : i32
      %dma_wait3A_774 = arith.constant 0 : i32
      %dma_wait3A_775 = tpu.memref_slice %arg2[%dma_wait3A_773, %dma_wait3A_774] : memref<1000000x64xf32, #tpu.memory_space<hbm>> -> memref<1000000x64xf32, #tpu.memory_space<hbm>>
      tpu.wait_indirect_dma semaphore(%arg21 : memref<!tpu.dma_semaphore, #tpu.memory_space<semaphore_mem>>) src(%dma_wait3A_775 : memref<1000000x64xf32, #tpu.memory_space<hbm>>) dst(%arg13 : memref<128x64xf32, #tpu.memory_space<vmem>>)
      %jit3A_776 = arith.constant 4 : i32
      %div3A_777 = arith.divsi %add3A_759, %jit3A_776 : i32
      %sign3A_778 = arith.constant 0 : i32
      %sign3A_779 = arith.cmpi sgt, %add3A_759, %sign3A_778 : i32
      %sign3A_780 = arith.extui %sign3A_779 : i1 to i32
      %sign3A_781 = arith.constant 0 : i32
      %sign3A_782 = arith.cmpi slt, %add3A_759, %sign3A_781 : i32
      %sign3A_783 = arith.extui %sign3A_782 : i1 to i32
      %sign3A_784 = arith.subi %sign3A_780, %sign3A_783 : i32
      %sign3A_785 = arith.constant 0 : i32
      %sign3A_786 = arith.cmpi sgt, %jit3A_776, %sign3A_785 : i32
      %sign3A_787 = arith.extui %sign3A_786 : i1 to i32
      %sign3A_788 = arith.constant 0 : i32
      %sign3A_789 = arith.cmpi slt, %jit3A_776, %sign3A_788 : i32
      %sign3A_790 = arith.extui %sign3A_789 : i1 to i32
      %sign3A_791 = arith.subi %sign3A_787, %sign3A_790 : i32
      %ne3A_792 = arith.cmpi ne, %sign3A_784, %sign3A_791 : i32
      %rem3A_793 = arith.remsi %add3A_759, %jit3A_776 : i32
      %ne3A_794 = arith.constant 0 : i32
      %ne3A_795 = arith.cmpi ne, %rem3A_793, %ne3A_794 : i32
      %and3A_796 = arith.andi %ne3A_792, %ne3A_795 : i1
      %sub3A_797 = arith.constant 1 : i32
      %sub3A_798 = arith.subi %div3A_777, %sub3A_797 : i32
      %select_n3A_799 = arith.select %and3A_796, %sub3A_798, %div3A_777 : i32
      %mul3A_800 = arith.constant 4 : i32
      %mul3A_801 = arith.muli %select_n3A_799, %mul3A_800 : i32
      %sub3A_802 = arith.subi %add3A_759, %mul3A_801 : i32
      %add3A_803 = arith.addi %mul3A_2, %sub3A_802 : i32
      %mul3A_804 = arith.constant 128 : i32
      %mul3A_805 = arith.muli %add3A_803, %mul3A_804 : i32
      %jit3A_806 = arith.constant 8 : i32
      %div3A_807 = arith.divsi %select_n3A_799, %jit3A_806 : i32
      %sign3A_808 = arith.constant 0 : i32
      %sign3A_809 = arith.cmpi sgt, %select_n3A_799, %sign3A_808 : i32
      %sign3A_810 = arith.extui %sign3A_809 : i1 to i32
      %sign3A_811 = arith.constant 0 : i32
      %sign3A_812 = arith.cmpi slt, %select_n3A_799, %sign3A_811 : i32
      %sign3A_813 = arith.extui %sign3A_812 : i1 to i32
      %sign3A_814 = arith.subi %sign3A_810, %sign3A_813 : i32
      %sign3A_815 = arith.constant 0 : i32
      %sign3A_816 = arith.cmpi sgt, %jit3A_806, %sign3A_815 : i32
      %sign3A_817 = arith.extui %sign3A_816 : i1 to i32
      %sign3A_818 = arith.constant 0 : i32
      %sign3A_819 = arith.cmpi slt, %jit3A_806, %sign3A_818 : i32
      %sign3A_820 = arith.extui %sign3A_819 : i1 to i32
      %sign3A_821 = arith.subi %sign3A_817, %sign3A_820 : i32
      %ne3A_822 = arith.cmpi ne, %sign3A_814, %sign3A_821 : i32
      %rem3A_823 = arith.remsi %select_n3A_799, %jit3A_806 : i32
      %ne3A_824 = arith.constant 0 : i32
      %ne3A_825 = arith.cmpi ne, %rem3A_823, %ne3A_824 : i32
      %and3A_826 = arith.andi %ne3A_822, %ne3A_825 : i1
      %sub3A_827 = arith.constant 1 : i32
      %sub3A_828 = arith.subi %div3A_807, %sub3A_827 : i32
      %select_n3A_829 = arith.select %and3A_826, %sub3A_828, %div3A_807 : i32
      %jit3A_830 = arith.constant 8 : i32
      %eq3A_831 = arith.constant 0 : i32
      %eq3A_832 = arith.cmpi eq, %jit3A_830, %eq3A_831 : i32
      %jit3A_833 = arith.constant 1 : i32
      %select_n3A_834 = arith.select %eq3A_832, %jit3A_833, %jit3A_830 : i32
      %rem3A_835 = arith.remsi %select_n3A_799, %select_n3A_834 : i32
      %ne3A_836 = arith.constant 0 : i32
      %ne3A_837 = arith.cmpi ne, %rem3A_835, %ne3A_836 : i32
      %lt3A_838 = arith.constant 0 : i32
      %lt3A_839 = arith.cmpi slt, %rem3A_835, %lt3A_838 : i32
      %lt3A_840 = arith.constant 0 : i32
      %lt3A_841 = arith.cmpi slt, %select_n3A_834, %lt3A_840 : i32
      %ne3A_842 = arith.xori %lt3A_839, %lt3A_841 : i1
      %and3A_843 = arith.andi %ne3A_842, %ne3A_837 : i1
      %add3A_844 = arith.addi %rem3A_835, %select_n3A_834 : i32
      %select_n3A_845 = arith.select %and3A_843, %add3A_844, %rem3A_835 : i32
      %dma_start3A_846 = arith.constant 0 : i32
      %dma_start3A_847 = tpu.memref_slice %arg4[%mul3A_805, %select_n3A_829, %select_n3A_845, %dma_start3A_846] : memref<16384x7x8x128xf32, #tpu.memory_space<hbm>> -> memref<128x1x1x64xf32, #tpu.memory_space<hbm>>
      %dma_start3A_848 = tpu.memref_squeeze %dma_start3A_847 : memref<128x1x1x64xf32, #tpu.memory_space<hbm>> -> memref<128x64xf32, #tpu.memory_space<hbm>>
      %dma_start3A_849 = arith.constant 0 : i32
      %dma_start3A_850 = tpu.memref_slice %arg4[%mul3A_805, %select_n3A_829, %select_n3A_845, %dma_start3A_849] : memref<16384x7x8x128xf32, #tpu.memory_space<hbm>> -> memref<128x1x1x64xf32, #tpu.memory_space<hbm>>
      %dma_start3A_851 = tpu.memref_squeeze %dma_start3A_850 : memref<128x1x1x64xf32, #tpu.memory_space<hbm>> -> memref<128x64xf32, #tpu.memory_space<hbm>>
      tpu.enqueue_dma source(%arg13 : memref<128x64xf32, #tpu.memory_space<vmem>>) target(%dma_start3A_851 : memref<128x64xf32, #tpu.memory_space<hbm>>) target_semaphore(%arg29 : memref<!tpu.dma_semaphore, #tpu.memory_space<semaphore_mem>>)
    }
    %scan3A_15 = arith.constant 25 : i32
    %dma_wait3A = arith.constant 0 : i32
    %dma_wait3A_16 = arith.constant 0 : i32
    %dma_wait3A_17 = arith.constant 0 : i32
    %dma_wait3A_18 = arith.constant 0 : i32
    %dma_wait3A_19 = tpu.memref_slice %arg4[%dma_wait3A_17, %dma_wait3A, %dma_wait3A_16, %dma_wait3A_18] : memref<16384x7x8x128xf32, #tpu.memory_space<hbm>> -> memref<128x1x1x64xf32, #tpu.memory_space<hbm>>
    %dma_wait3A_20 = tpu.memref_squeeze %dma_wait3A_19 : memref<128x1x1x64xf32, #tpu.memory_space<hbm>> -> memref<128x64xf32, #tpu.memory_space<hbm>>
    %dma_wait3A_21 = arith.constant 0 : i32
    %dma_wait3A_22 = arith.constant 0 : i32
    %dma_wait3A_23 = tpu.memref_slice %arg4[%dma_wait3A_21, %dma_wait3A, %dma_wait3A_16, %dma_wait3A_22] : memref<16384x7x8x128xf32, #tpu.memory_space<hbm>> -> memref<128x1x1x64xf32, #tpu.memory_space<hbm>>
    %dma_wait3A_24 = tpu.memref_squeeze %dma_wait3A_23 : memref<128x1x1x64xf32, #tpu.memory_space<hbm>> -> memref<128x64xf32, #tpu.memory_space<hbm>>
    tpu.wait_dma2 semaphore(%arg22 : memref<!tpu.dma_semaphore, #tpu.memory_space<semaphore_mem>>) src(%arg6 : memref<128x64xf32, #tpu.memory_space<vmem>>) dst(%dma_wait3A_24 : memref<128x64xf32, #tpu.memory_space<hbm>>)
    %dma_wait3A_25 = arith.constant 0 : i32
    %dma_wait3A_26 = arith.constant 0 : i32
    %dma_wait3A_27 = arith.constant 0 : i32
    %dma_wait3A_28 = arith.constant 0 : i32
    %dma_wait3A_29 = tpu.memref_slice %arg4[%dma_wait3A_27, %dma_wait3A_25, %dma_wait3A_26, %dma_wait3A_28] : memref<16384x7x8x128xf32, #tpu.memory_space<hbm>> -> memref<128x1x1x64xf32, #tpu.memory_space<hbm>>
    %dma_wait3A_30 = tpu.memref_squeeze %dma_wait3A_29 : memref<128x1x1x64xf32, #tpu.memory_space<hbm>> -> memref<128x64xf32, #tpu.memory_space<hbm>>
    %dma_wait3A_31 = arith.constant 0 : i32
    %dma_wait3A_32 = arith.constant 0 : i32
    %dma_wait3A_33 = tpu.memref_slice %arg4[%dma_wait3A_31, %dma_wait3A_25, %dma_wait3A_26, %dma_wait3A_32] : memref<16384x7x8x128xf32, #tpu.memory_space<hbm>> -> memref<128x1x1x64xf32, #tpu.memory_space<hbm>>
    %dma_wait3A_34 = tpu.memref_squeeze %dma_wait3A_33 : memref<128x1x1x64xf32, #tpu.memory_space<hbm>> -> memref<128x64xf32, #tpu.memory_space<hbm>>
    tpu.wait_dma2 semaphore(%arg23 : memref<!tpu.dma_semaphore, #tpu.memory_space<semaphore_mem>>) src(%arg7 : memref<128x64xf32, #tpu.memory_space<vmem>>) dst(%dma_wait3A_34 : memref<128x64xf32, #tpu.memory_space<hbm>>)
    %dma_wait3A_35 = arith.constant 0 : i32
    %dma_wait3A_36 = arith.constant 0 : i32
    %dma_wait3A_37 = arith.constant 0 : i32
    %dma_wait3A_38 = arith.constant 0 : i32
    %dma_wait3A_39 = tpu.memref_slice %arg4[%dma_wait3A_37, %dma_wait3A_35, %dma_wait3A_36, %dma_wait3A_38] : memref<16384x7x8x128xf32, #tpu.memory_space<hbm>> -> memref<128x1x1x64xf32, #tpu.memory_space<hbm>>
    %dma_wait3A_40 = tpu.memref_squeeze %dma_wait3A_39 : memref<128x1x1x64xf32, #tpu.memory_space<hbm>> -> memref<128x64xf32, #tpu.memory_space<hbm>>
    %dma_wait3A_41 = arith.constant 0 : i32
    %dma_wait3A_42 = arith.constant 0 : i32
    %dma_wait3A_43 = tpu.memref_slice %arg4[%dma_wait3A_41, %dma_wait3A_35, %dma_wait3A_36, %dma_wait3A_42] : memref<16384x7x8x128xf32, #tpu.memory_space<hbm>> -> memref<128x1x1x64xf32, #tpu.memory_space<hbm>>
    %dma_wait3A_44 = tpu.memref_squeeze %dma_wait3A_43 : memref<128x1x1x64xf32, #tpu.memory_space<hbm>> -> memref<128x64xf32, #tpu.memory_space<hbm>>
    tpu.wait_dma2 semaphore(%arg24 : memref<!tpu.dma_semaphore, #tpu.memory_space<semaphore_mem>>) src(%arg8 : memref<128x64xf32, #tpu.memory_space<vmem>>) dst(%dma_wait3A_44 : memref<128x64xf32, #tpu.memory_space<hbm>>)
    %dma_wait3A_45 = arith.constant 0 : i32
    %dma_wait3A_46 = arith.constant 0 : i32
    %dma_wait3A_47 = arith.constant 0 : i32
    %dma_wait3A_48 = arith.constant 0 : i32
    %dma_wait3A_49 = tpu.memref_slice %arg4[%dma_wait3A_47, %dma_wait3A_45, %dma_wait3A_46, %dma_wait3A_48] : memref<16384x7x8x128xf32, #tpu.memory_space<hbm>> -> memref<128x1x1x64xf32, #tpu.memory_space<hbm>>
    %dma_wait3A_50 = tpu.memref_squeeze %dma_wait3A_49 : memref<128x1x1x64xf32, #tpu.memory_space<hbm>> -> memref<128x64xf32, #tpu.memory_space<hbm>>
    %dma_wait3A_51 = arith.constant 0 : i32
    %dma_wait3A_52 = arith.constant 0 : i32
    %dma_wait3A_53 = tpu.memref_slice %arg4[%dma_wait3A_51, %dma_wait3A_45, %dma_wait3A_46, %dma_wait3A_52] : memref<16384x7x8x128xf32, #tpu.memory_space<hbm>> -> memref<128x1x1x64xf32, #tpu.memory_space<hbm>>
    %dma_wait3A_54 = tpu.memref_squeeze %dma_wait3A_53 : memref<128x1x1x64xf32, #tpu.memory_space<hbm>> -> memref<128x64xf32, #tpu.memory_space<hbm>>
    tpu.wait_dma2 semaphore(%arg25 : memref<!tpu.dma_semaphore, #tpu.memory_space<semaphore_mem>>) src(%arg9 : memref<128x64xf32, #tpu.memory_space<vmem>>) dst(%dma_wait3A_54 : memref<128x64xf32, #tpu.memory_space<hbm>>)
    %dma_wait3A_55 = arith.constant 0 : i32
    %dma_wait3A_56 = arith.constant 0 : i32
    %dma_wait3A_57 = arith.constant 0 : i32
    %dma_wait3A_58 = arith.constant 0 : i32
    %dma_wait3A_59 = tpu.memref_slice %arg4[%dma_wait3A_57, %dma_wait3A_55, %dma_wait3A_56, %dma_wait3A_58] : memref<16384x7x8x128xf32, #tpu.memory_space<hbm>> -> memref<128x1x1x64xf32, #tpu.memory_space<hbm>>
    %dma_wait3A_60 = tpu.memref_squeeze %dma_wait3A_59 : memref<128x1x1x64xf32, #tpu.memory_space<hbm>> -> memref<128x64xf32, #tpu.memory_space<hbm>>
    %dma_wait3A_61 = arith.constant 0 : i32
    %dma_wait3A_62 = arith.constant 0 : i32
    %dma_wait3A_63 = tpu.memref_slice %arg4[%dma_wait3A_61, %dma_wait3A_55, %dma_wait3A_56, %dma_wait3A_62] : memref<16384x7x8x128xf32, #tpu.memory_space<hbm>> -> memref<128x1x1x64xf32, #tpu.memory_space<hbm>>
    %dma_wait3A_64 = tpu.memref_squeeze %dma_wait3A_63 : memref<128x1x1x64xf32, #tpu.memory_space<hbm>> -> memref<128x64xf32, #tpu.memory_space<hbm>>
    tpu.wait_dma2 semaphore(%arg26 : memref<!tpu.dma_semaphore, #tpu.memory_space<semaphore_mem>>) src(%arg10 : memref<128x64xf32, #tpu.memory_space<vmem>>) dst(%dma_wait3A_64 : memref<128x64xf32, #tpu.memory_space<hbm>>)
    %dma_wait3A_65 = arith.constant 0 : i32
    %dma_wait3A_66 = arith.constant 0 : i32
    %dma_wait3A_67 = arith.constant 0 : i32
    %dma_wait3A_68 = arith.constant 0 : i32
    %dma_wait3A_69 = tpu.memref_slice %arg4[%dma_wait3A_67, %dma_wait3A_65, %dma_wait3A_66, %dma_wait3A_68] : memref<16384x7x8x128xf32, #tpu.memory_space<hbm>> -> memref<128x1x1x64xf32, #tpu.memory_space<hbm>>
    %dma_wait3A_70 = tpu.memref_squeeze %dma_wait3A_69 : memref<128x1x1x64xf32, #tpu.memory_space<hbm>> -> memref<128x64xf32, #tpu.memory_space<hbm>>
    %dma_wait3A_71 = arith.constant 0 : i32
    %dma_wait3A_72 = arith.constant 0 : i32
    %dma_wait3A_73 = tpu.memref_slice %arg4[%dma_wait3A_71, %dma_wait3A_65, %dma_wait3A_66, %dma_wait3A_72] : memref<16384x7x8x128xf32, #tpu.memory_space<hbm>> -> memref<128x1x1x64xf32, #tpu.memory_space<hbm>>
    %dma_wait3A_74 = tpu.memref_squeeze %dma_wait3A_73 : memref<128x1x1x64xf32, #tpu.memory_space<hbm>> -> memref<128x64xf32, #tpu.memory_space<hbm>>
    tpu.wait_dma2 semaphore(%arg27 : memref<!tpu.dma_semaphore, #tpu.memory_space<semaphore_mem>>) src(%arg11 : memref<128x64xf32, #tpu.memory_space<vmem>>) dst(%dma_wait3A_74 : memref<128x64xf32, #tpu.memory_space<hbm>>)
    %dma_wait3A_75 = arith.constant 0 : i32
    %dma_wait3A_76 = arith.constant 0 : i32
    %dma_wait3A_77 = arith.constant 0 : i32
    %dma_wait3A_78 = arith.constant 0 : i32
    %dma_wait3A_79 = tpu.memref_slice %arg4[%dma_wait3A_77, %dma_wait3A_75, %dma_wait3A_76, %dma_wait3A_78] : memref<16384x7x8x128xf32, #tpu.memory_space<hbm>> -> memref<128x1x1x64xf32, #tpu.memory_space<hbm>>
    %dma_wait3A_80 = tpu.memref_squeeze %dma_wait3A_79 : memref<128x1x1x64xf32, #tpu.memory_space<hbm>> -> memref<128x64xf32, #tpu.memory_space<hbm>>
    %dma_wait3A_81 = arith.constant 0 : i32
    %dma_wait3A_82 = arith.constant 0 : i32
    %dma_wait3A_83 = tpu.memref_slice %arg4[%dma_wait3A_81, %dma_wait3A_75, %dma_wait3A_76, %dma_wait3A_82] : memref<16384x7x8x128xf32, #tpu.memory_space<hbm>> -> memref<128x1x1x64xf32, #tpu.memory_space<hbm>>
    %dma_wait3A_84 = tpu.memref_squeeze %dma_wait3A_83 : memref<128x1x1x64xf32, #tpu.memory_space<hbm>> -> memref<128x64xf32, #tpu.memory_space<hbm>>
    tpu.wait_dma2 semaphore(%arg28 : memref<!tpu.dma_semaphore, #tpu.memory_space<semaphore_mem>>) src(%arg12 : memref<128x64xf32, #tpu.memory_space<vmem>>) dst(%dma_wait3A_84 : memref<128x64xf32, #tpu.memory_space<hbm>>)
    %dma_wait3A_85 = arith.constant 0 : i32
    %dma_wait3A_86 = arith.constant 0 : i32
    %dma_wait3A_87 = arith.constant 0 : i32
    %dma_wait3A_88 = arith.constant 0 : i32
    %dma_wait3A_89 = tpu.memref_slice %arg4[%dma_wait3A_87, %dma_wait3A_85, %dma_wait3A_86, %dma_wait3A_88] : memref<16384x7x8x128xf32, #tpu.memory_space<hbm>> -> memref<128x1x1x64xf32, #tpu.memory_space<hbm>>
    %dma_wait3A_90 = tpu.memref_squeeze %dma_wait3A_89 : memref<128x1x1x64xf32, #tpu.memory_space<hbm>> -> memref<128x64xf32, #tpu.memory_space<hbm>>
    %dma_wait3A_91 = arith.constant 0 : i32
    %dma_wait3A_92 = arith.constant 0 : i32
    %dma_wait3A_93 = tpu.memref_slice %arg4[%dma_wait3A_91, %dma_wait3A_85, %dma_wait3A_86, %dma_wait3A_92] : memref<16384x7x8x128xf32, #tpu.memory_space<hbm>> -> memref<128x1x1x64xf32, #tpu.memory_space<hbm>>
    %dma_wait3A_94 = tpu.memref_squeeze %dma_wait3A_93 : memref<128x1x1x64xf32, #tpu.memory_space<hbm>> -> memref<128x64xf32, #tpu.memory_space<hbm>>
    tpu.wait_dma2 semaphore(%arg29 : memref<!tpu.dma_semaphore, #tpu.memory_space<semaphore_mem>>) src(%arg13 : memref<128x64xf32, #tpu.memory_space<vmem>>) dst(%dma_wait3A_94 : memref<128x64xf32, #tpu.memory_space<hbm>>)
    return
  }
}

</mosaic_0001>

<sc_bundles>
// kernel: kernel.3.cloned.1.call-start
scs
__scs_entry_jumppad:
0x0: {  	(pc) =	sbr.rel $0x88, $3  }
0x1: {  	(tag) =	ssettag $0x0;
	lr =	simm.s32 $0x1  }
0x2: {  	[smem:$0x3F9F] =	sst lr;
	_ =	strace $0xD0000000  }
0x3: {  	_ = 	snop  }
0x4: {  	_ = 	snop  }
0x5: {  	_ = 	snop  }
0x6: {  	_ = 	snop  }
0x7: {  	_ = 	snop  }
__scs_overlays_trampoline_lowered:
0x8: {  	[smem:$0x3FAE] =	sst s0  }
0x9: {  	[smem:$0x3FAF] =	sst s1  }
0xa: {  	[smem:$0x3FB0] =	sst s2  }
0xb: {  	[smem:$0x3FB1] =	sst s3  }
0xc: {  	[smem:$0x3FB2] =	sst s4  }
0xd: {  	[smem:$0x3FB3] =	sst s5  }
0xe: {  	[smem:$0x3FB4] =	sst s6  }
0xf: {  	[smem:$0x3FB5] =	sst s7  }
0x10: {  	[smem:$0x3FB6] =	sst s8  }
0x11: {  	[smem:$0x3FB7] =	sst s9;
	s0 =	simm.s32 @!p0 $0x0  }
0x12: {  	s1 =	sld [smem:$0x3F9D];
	s0 =	simm.s32 @p0 $0x1  }
0x13: {  	[smem:$0x3FB8] =	sst s0;
	s0 =	simm.s32 @!p1 $0x0  }
0x14: {  	s2 =	sld [smem:$0x3F9C];
	s0 =	simm.s32 @p1 $0x1  }
0x15: {  	[smem:$0x3FB9] =	sst s0;
	s0 =	simm.s32 @!p2 $0x0  }
0x16: {  	s3 =	sld [smem:$0x3FDB];
	s0 =	simm.s32 @p2 $0x1  }
0x17: {  	s4 =	simm.s32 $0x1BF5;
	[smem:$0x3FBB] =	sst s0  }
0x18: {  	s0 =	sld [smem:$0x3F9E];
	_ =	swait.ge [sflag:s4], $0x0  }
0x19: {  	s7 =	sld [smem:$0x3F9F]  }
0x1a: {  	s8 =	sadd.s32 $0xFFFFE003, lr  }
0x1b: {  	s9 =	sadd.s32 $0xFFFFFEF7, lr;
	s5 =	simm.s32 $0xFFFFFFFF;
	p2 =	slt.u32 s8, $0xFFFFF086  }
0x1c: {  	p1 =	slt.u32 s9, $0xF7A;
	s5 =	simm.s32 @!p2 $0x0  }
0x1d: {  	s5 =	simm.s32 @p1 $0x1;
	p0 =	seq.s32 s7, s2  }
0x1e: {  	s7 =	smul.u32 @!p0 $0xF7A, s2;
	p2 =	seq.s32 @!p0 s5, $0x0  }
0x1f: {  	s9 =	smul.u32 $0xF7A, s1;
	s8 =	simm.s32 @!p0 $0x1BF5;
	p2 =	por !p2, p0  }
0x20: {  	[sflag:s8] =	ssyncset.s32 @!p0 $0xFFFFF086;
	s6 =	sadd.s32 @!p0 s3, s7;
	s7 =	simm.s32 @!p0 $0x108  }
0x21: {  	s3 =	sadd.s32 s3, s9;
	s6 =	sadd.s32 @!p0 $0x88, s6;
	s7 =	simm.s32 @p2 $0x1082  }
0x22: {  	[simem:s7], [sflag:s8] =	dma.local @!p0 [hbm:s6], $0xF7A  }
0x23: {  	s9 =	sor.u32 $0xD0000000, s2;
	s6 =	simm.s32 $0x108;
	_ =	swait.ge @!p0 [sflag:s8], $0x0  }
0x24: {  	s3 =	sadd.s32 $0x88, s3;
	s6 =	simm.s32 @!p1 $0x1082;
	[sflag:s4] =	ssyncset.s32 $0xFFFFF086  }
0x25: {  	[simem:s6], [sflag:s4] =	dma.local [hbm:s3], $0xF7A  }
0x26: {  	[smem:$0x3F9F] =	sst s1;
	(tag) =	ssettag s2;
	_ =	strace s9  }
0x27: {  	s1 =	sld [smem:$0x3FAF]  }
0x28: {  	s2 =	sld [smem:$0x3FB0]  }
0x29: {  	s4 =	sld [smem:$0x3FB2]  }
0x2a: {  	p0 =	seq.s32 s5, $0x0;
	s5 =	sld [smem:$0x3FB3]  }
0x2b: {  	s6 =	sld [smem:$0x3FB4]  }
0x2c: {  	s7 =	sld [smem:$0x3FB5]  }
0x2d: {  	s3 =	simm.s32 $0x108;
	s8 =	sld [smem:$0x3FB6]  }
0x2e: {  	s3 =	simm.s32 @!p0 $0x1082;
	s9 =	sld [smem:$0x3FB7]  }
0x2f: {  	lr =	sadd.s32 s0, s3;
	s0 =	sld [smem:$0x3FAE]  }
0x30: {  	s3 =	sld [smem:$0x3FB1]  }
0x31: {  	[smem:$0x3FBA] =	sst s10  }
0x32: {  	s10 =	sld [smem:$0x3FB8];
	_ =	sdelay $0x3  }
0x33: {  	p0 =	seq.s32 s10, $0x1;
	s10 =	sld [smem:$0x3FBA];
	_ =	sdelay $0x3  }
0x34: {  	[smem:$0x3FBA] =	sst s10  }
0x35: {  	s10 =	sld [smem:$0x3FB9];
	_ =	sdelay $0x3  }
0x36: {  	p1 =	seq.s32 s10, $0x1;
	s10 =	sld [smem:$0x3FBA];
	_ =	sdelay $0x3  }
0x37: {  	[smem:$0x3FBA] =	sst s10  }
0x38: {  	s10 =	sld [smem:$0x3FBB]  }
0x39: {  	_ = 	snop;
	(pc) =	sbr.ind lr, $3  }
0x3a: {  	_ = 	snop  }
0x3b: {  	_ = 	snop  }
0x3c: {  	p2 =	seq.s32 s10, $0x1;
	s10 =	sld [smem:$0x3FBA]  }
0x3d: {  	_ =	shalt  }
0x3e: {  	_ =	shalt  }
0x3f: {  	_ =	shalt  }
0x40: {  	_ =	shalt  }
0x41: {  	_ =	shalt  }
0x42: {  	_ =	shalt  }
0x43: {  	_ =	shalt  }
0x44: {  	_ =	shalt  }
0x45: {  	_ =	shalt  }
0x46: {  	_ =	shalt  }
0x47: {  	_ =	shalt  }
0x48: {  	_ =	shalt  }
0x49: {  	_ =	shalt  }
0x4a: {  	_ =	shalt  }
0x4b: {  	_ =	shalt  }
0x4c: {  	_ =	shalt  }
0x4d: {  	_ =	shalt  }
0x4e: {  	_ =	shalt  }
0x4f: {  	_ =	shalt  }
0x50: {  	_ =	shalt  }
0x51: {  	_ =	shalt  }
0x52: {  	_ =	shalt  }
0x53: {  	_ =	shalt  }
0x54: {  	_ =	shalt  }
0x55: {  	_ =	shalt  }
0x56: {  	_ =	shalt  }
0x57: {  	_ =	shalt  }
0x58: {  	_ =	shalt  }
0x59: {  	_ =	shalt  }
0x5a: {  	_ =	shalt  }
0x5b: {  	_ =	shalt  }
0x5c: {  	_ =	shalt  }
0x5d: {  	_ =	shalt  }
0x5e: {  	_ =	shalt  }
0x5f: {  	_ =	shalt  }
0x60: {  	_ =	shalt  }
0x61: {  	_ =	shalt  }
0x62: {  	_ =	shalt  }
0x63: {  	_ =	shalt  }
0x64: {  	_ =	shalt  }
0x65: {  	_ =	shalt  }
0x66: {  	_ =	shalt  }
0x67: {  	_ =	shalt  }
0x68: {  	_ =	shalt  }
0x69: {  	_ =	shalt  }
0x6a: {  	_ =	shalt  }
0x6b: {  	_ =	shalt  }
0x6c: {  	_ =	shalt  }
0x6d: {  	_ =	shalt  }
0x6e: {  	_ =	shalt  }
0x6f: {  	_ =	shalt  }
0x70: {  	_ =	shalt  }
0x71: {  	_ =	shalt  }
0x72: {  	_ =	shalt  }
0x73: {  	_ =	shalt  }
0x74: {  	_ =	shalt  }
0x75: {  	_ =	shalt  }
0x76: {  	_ =	shalt  }
0x77: {  	_ =	shalt  }
0x78: {  	_ =	shalt  }
0x79: {  	_ =	shalt  }
0x7a: {  	_ =	shalt  }
0x7b: {  	_ =	shalt  }
0x7c: {  	_ =	shalt  }
0x7d: {  	_ =	shalt  }
0x7e: {  	_ =	shalt  }
0x7f: {  	_ =	shalt  }
0x80: {  	_ =	shalt  }
0x81: {  	_ =	shalt  }
0x82: {  	_ =	shalt  }
0x83: {  	_ =	shalt  }
0x84: {  	_ =	shalt  }
0x85: {  	_ =	shalt  }
0x86: {  	_ =	shalt  }
0x87: {  	_ =	shalt  }
.Lfunc_end0:
.L_simem_size_0:
called_computation.1_lowered:
.L_overlay_start_0:
0x88: {  	s2 =	sld [smem:$0x3FD9]  }
0x89: {  	s3 =	sld [smem:$0x3FFE];
	_ =	sdelay $0x1  }
0x8a: {  	s1 =	srdreg.scid  }
0x8b: {  	s0 =	sand.u32 $0x1, s1  }
0x8c: {  	s17 =	sshll.u32 s0, $0xA;
	s2 =	sadd.s32 s3, s2  }
0x8d: {  	s2 =	sadd.s32 s2, s17  }
0x8e: {  	[smem:$0x3FC6] =	sst s2  }
0x8f: {  	_ = 	snop  }
0x90: {  	s2 =	sld [smem:$0x3FD0];
	(tm) =	ssettm $0x1  }
0x91: {  	s18 =	sld [smem:$0x3FFB];
	_ =	sdelay $0x3  }
0x92: {  	_ =	strace s18  }
0x93: {  	s3 =	sld [smem:$0x3FFC];
	_ =	sdelay $0x3  }
0x94: {  	_ =	strace s3  }
0x95: {  	s3 =	sld [smem:$0x3FFD];
	_ =	sdelay $0x3  }
0x96: {  	_ =	strace s3  }
0x97: {  	_ =	strace $0x8FFFFFFF  }
0x98: {  	s19 =	sld [smem:$0x3FDB];
	_ =	sdelay $0x1  }
0x99: {  	s4 =	simm.s32 $_scs_section_size  }
0x9a: {  	s5 =	simm.s32 $_size__tile_overlayer_lowered;
	s6 =	simm.s32 $_tile_overlayer_lowered  }
0x9b: {  	s22 =	simm.s32 $0x1BFF;
	s21 =	sshll.u32 s6, $0x1;
	s3 =	sadd.s32 s4, s19  }
0x9c: {  	s7 =	simm.s32 $0x0;
	s20 =	sshll.u32 s5, $0x1;
	s5 =	sadd.s32 s21, s3  }
0x9d: {  	[timem:s7], [sflag:s22] =	dma.local [hbm:s5], s20  }
0x9e: {  	_ =	swait.ge [sflag:s22], s20  }
0x9f: {  	s4 =	ssub.s32 $0x0, s20;
	[sflag:s22] =	ssyncset.done $0x0  }
0xa0: {  	[sflag:s22] =	ssyncadd.s32 s4;
	_ =	sdelay $0x1  }
0xa1: {  	s23 =	simm.s32 $0x1B8B  }
0xa2: {  	_ =	swait.ge [sflag:s23], $0x1  }
0xa3: {  	[sflag:s23] =	ssyncset.done $0x0  }
0xa4: {  	s25 =	simm.s32 $0x1B8E;
	s24 =	sld [smem:$0x3FFE];
	[sflag:s23] =	ssyncadd.s32 $0xFFFFFFFF  }
0xa5: {  	s26 =	simm.s32 $execute0_lowered;
	[smem:$0x3FD2] =	sst s25  }
0xa6: {  	s5 =	sshll.u32 s26, $0x1;
	_ =	strace $0x80000046;
	[dreg:$0x1] =	wrdreg $0xFFFFFFFF  }
0xa7: {  	s28 =	simm.s32 $_size_execute0_lowered;
	s3 =	sadd.s32 s3, s5;
	[dreg:$0x0] =	wrdreg $0x0  }
0xa8: {  	s5 =	sshll.u32 s28, $0x1;
	[dreg:$0x2] =	wrdreg s3  }
0xa9: {  	[dreg:$0x3] =	wrdreg s5  }
0xaa: {  	[dreg:$0x4] =	wrdreg $0xC0  }
0xab: {  	_ =	task [dreg:s7], $0x5FFFF  }
0xac: {  	[dreg:$0x1] =	wrdreg $0xFFFFFFFF  }
0xad: {  	[dreg:$0x0] =	wrdreg $0x60  }
0xae: {  	[dreg:$0x2] =	wrdreg s24  }
0xaf: {  	[dreg:$0x3] =	wrdreg s2  }
0xb0: {  	[dreg:$0x4] =	wrdreg $0x9  }
0xb1: {  	_ =	task.clear_ibuf [dreg:s7], $0x5FFFF;
	_ =	strace $0x90000046  }
0xb2: {  	s29 =	simm.s32 $0x9;
	_ =	strace $0x80000048  }
0xb3: {  	_ =	swait.ge [sflag:s29], $0x1  }
0xb4: {  	[sflag:s29] =	ssyncadd.s32 $0xFFFFFFFF  }
0xb5: {  	_ =	strace $0x90000048  }
0xb6: {  	_ =	sfence  }
0xb7: {  	s30 =	sld [smem:$0x0];
	_ =	sdelay $0x2  }
0xb8: {  	s31 =	sshll.u32 s1, $0xD;
	s1 =	sshrl.u32 s1, $0x2  }
0xb9: {  	s3 =	sand.u32 $0x4000, s31;
	s1 =	sadd.s32 s1, s30  }
0xba: {  	s0 =	sor.u32 s3, s0;
	s1 =	sshll.u32 s1, $0x11  }
0xbb: {  	s0 =	sor.u32 s1, s0  }
0xbc: {  	s0 =	sadd.s32 $0x8F2B, s0  }
0xbd: {  	[sflag:s0] =	ssyncadd.remote.s32 $0x1  }
0xbe: {  	_ =	sfence.sel $0xFFFF  }
0xbf: {  	[dreg:$0x0] =	wrdreg $0xFFFFFFFF;
	(pc) =	sbr.abs _section_cstart, $3  }
0xc0: {  	[dreg:$0x1] =	wrdreg $0xFFFFFFFF  }
0xc1: {  	_ =	task.clear_ibuf [dreg:s7], $0x2FFFF;
	_ =	strace $0x9FFFFFFF  }
0xc2: {  	(tm) =	ssettm $0x7FFFFFFF  }
0xc3: {  	_ =	shalt  }
tec
execute0_lowered:
.L_overlay_start_1:
0x0: {  	(tag) =	ssettag $0x1  }
0x1: {  	s0 =	rddreg [dreg:$0x0]  }
0x2: {  	s1 =	rddreg [dreg:$0x1];
	s2 =	srdreg.scid  }
0x3: {  	s4 =	simm.s32 $0x0;
	s3 =	stileid.u32;
	s2 =	sand.u32 $0x1, s2  }
0x4: {  	[smem:$0x7FF] =	sst s4;
	s3 =	sshll.u32 s3, $0x3;
	s22 =	sadd.s32 $0xF42E00, s0  }
0x5: {  	s0 =	sadd.s32 $0xA00, s0;
	s21 =	sshll.u32 s2, $0x2;
	_ =	strace $0x80000047  }
0x6: {  	[dreg:$0x6] =	wrdreg s22;
	s2 =	ssub.s32 $0x2, s2;
	s4 =	sor.u32 s21, s3  }
0x7: {  	s24 =	sshrl.u32 s2, $0x1;
	s23 =	smul.u32 $0xE0000, s4;
	s4 =	sshll.u32 s4, $0x7  }
0x8: {  	[dreg:$0x7] =	wrdreg s0;
	s0 =	ssub.s32 s2, s24;
	s1 =	sadd.s32 s1, s4  }
0x9: {  	s0 =	smax.u32 s0, $0x1;
	[dreg:$0xa] =	wrdreg s1  }
0xa: {  	s25 =	sadd.s32 $0xE0000, s23;
	[dreg:$0xb] =	wrdreg s0  }
0xb: {  	s28 =	simm.s32 $0x13000;
	s26 =	sadd.s32 $0x1C0000, s23;
	[dreg:$0x3] =	wrdreg s25  }
0xc: {  	s31 =	simm.s32 $0x15000;
	s30 =	sadd.s32 $0x2A0000, s23;
	[dreg:$0x4] =	wrdreg s26  }
0xd: {  	s2 =	simm.s32 $0x0;
	s29 =	smov.u32 s23;
	[dreg:$0x5] =	wrdreg s30  }
.LBB2_1:
0xe: {  	[dreg:$0xc] =	wrdreg s2  }
0xf: {  	s10 =	simm.s32 $0x1000;
	s0 =	simm.s32 $0x0;
	s1 =	rddreg [dreg:$0xa]  }
0x10: {  	s20 =	simm.s32 $0x20000;
	s21 =	simm.s32 $0x11;
	s8 =	simm.s32 $0x80  }
0x11: {  	s7 =	simm.s32 $0x7000;
	p0 =	por $0x1, $0x1;
	s22 =	simm.s32 $0x0  }
0x12: {  	s9 =	simm.s32 $0x9000;
	s24 =	simm.s32 $0x1;
	s3 =	simm.s32 $0x40  }
0x13: {  	s13 =	simm.s32 $0x1C00;
	s18 =	simm.s32 $0xB000;
	s26 =	simm.s32 $0x2  }
0x14: {  	s30 =	simm.s32 $0x80;
	p2 =	por $0x1, $0x1;
	p3 =	por $0x0, $0x0  }
0x15: {  	[tilespmem:s0], [sflag:$0x11] =	stream.strided.gather [hbm4b:s1+s10], $0x7000, s20, s10, $0x38;
	[tilespmem:$0x17000] =	vst v63  }
0x16: {  	p4 =	por $0x1, $0x1;
	p1 =	por p0, p0;
	_ =	swait.ge [sflag:s21], $0x7000  }
0x17: {  	s1 =	sand.u32 $0x1C000, s22;
	s6 =	sand.u32 $0x300, s0;
	[sflag:s21] =	ssyncset.done $0x0  }
0x18: {  	s2 =	simm.s32 @!p1 $0xA;
	s5 =	rddreg [dreg:$0x6];
	[sflag:s21] =	ssyncadd.s32 $0xFFFF9000  }
0x19: {  	[tilespmem:s7], [sflag:$0x1] =	stream.indirect.gather [hbm4b:s5+s8], $0x40, s0, s8, $0xb8;
	[tilespmem:$0x17000] =	vst v63  }
0x1a: {  	s4 =	sand.u32 $0x1C00, s0;
	s11 =	sshrl.u32 s1, $0x2;
	_ =	swait.ge @!p1 [sflag:s2], $0x2000  }
0x1b: {  	p0 =	por $0x0, $0x0;
	s14 =	sor.u32 $0x400, s11;
	[sflag:s2] =	ssyncset.done @!p1 $0x0  }
0x1c: {  	s1 =	sor.u32 s29, s4;
	s12 =	sor.u32 s6, s14;
	[sflag:s2] =	ssyncadd.s32 @!p1 $0xFFFFE000  }
0x1d: {  	[tilespmem:s9], [sflag:$0x2] =	stream.indirect.gather [hbm4b:s5+s8], $0x40, s12, s8, $0xb8;
	[tilespmem:$0x17000] =	vst v63  }
0x1e: {  	s15 =	simm.s32 @!p1 $0xB;
	s23 =	sor.u32 s6, s1;
	_ =	swait.ge [sflag:s24], $0x2000  }
0x1f: {  	s2 =	sshrl.u32 s23, $0x3;
	[sflag:s24] =	ssyncset.done $0x0;
	s17 =	rddreg [dreg:$0x7]  }
0x20: {  	s16 =	sadd.s32 $0x800, s11;
	s2 =	sadd.s32 s17, s2;
	[sflag:s24] =	ssyncadd.s32 $0xFFFFE000  }
0x21: {  	[hbm4b:s2+s3] =	stream.strided.scatter [tilespmem:s7], [sflag:$0x9], $0x2000, s13, s3, $0x38;
	[tilespmem:$0x17000] =	vst v63  }
0x22: {  	s20 =	sadd.s32 s6, s16;
	s21 =	simm.s32 $0xA0;
	s2 =	simm.s32 @!p0 $0x100  }
0x23: {  	s12 =	simm.s32 $0x100;
	_ =	swait.ge @!p1 [sflag:s15], $0x2000;
	s2 =	sand.u32 @!p0 $0x300, s2  }
0x24: {  	p0 =	por p0, p0;
	[sflag:s15] =	ssyncset.done @!p1 $0x0;
	s0 =	rddreg [dreg:$0x3]  }
0x25: {  	s10 =	sand.u32 @!p0 $0x3C000, s10;
	s19 =	sor.u32 s4, s0;
	[sflag:s15] =	ssyncadd.s32 @!p1 $0xFFFFE000  }
0x26: {  	[tilespmem:s18], [sflag:$0x3] =	stream.indirect.gather [hbm4b:s5+s8], $0x40, s20, s8, $0xb8;
	[tilespmem:$0x17000] =	vst v63  }
0x27: {  	s25 =	sor.u32 s6, s19;
	s20 =	simm.s32 @!p1 $0xC;
	_ =	swait.ge [sflag:s26], $0x2000  }
0x28: {  	s19 =	sand.u32 $0x380, s21;
	s15 =	sshrl.u32 s25, $0x3;
	[sflag:s26] =	ssyncset.done $0x0  }
0x29: {  	s25 =	simm.s32 $0xD000;
	s15 =	sadd.s32 s17, s15;
	[sflag:s26] =	ssyncadd.s32 $0xFFFFE000  }
0x2a: {  	[hbm4b:s15+s3] =	stream.strided.scatter [tilespmem:s9], [sflag:$0xA], $0x2000, s13, s3, $0x38;
	[tilespmem:$0x17000] =	vst v63  }
0x2b: {  	s26 =	simm.s32 $0x3;
	s15 =	sand.u32 $0x380, s30;
	_ =	swait.ge @!p1 [sflag:s20], $0x2000  }
0x2c: {  	s9 =	sadd.s32 $0xC00, s11;
	[sflag:s20] =	ssyncset.done @!p1 $0x0;
	s24 =	rddreg [dreg:$0x4]  }
0x2d: {  	s23 =	sadd.s32 s6, s9;
	s22 =	sor.u32 s4, s24;
	[sflag:s20] =	ssyncadd.s32 @!p1 $0xFFFFE000  }
0x2e: {  	[tilespmem:s25], [sflag:$0x4] =	stream.indirect.gather [hbm4b:s5+s8], $0x40, s23, s8, $0xb8;
	[tilespmem:$0x17000] =	vst v63  }
0x2f: {  	s20 =	sor.u32 $0x80, s6;
	s22 =	sor.u32 s6, s22;
	_ =	swait.ge [sflag:s26], $0x2000  }
0x30: {  	s30 =	sor.u32 s24, s20;
	s22 =	sshrl.u32 s22, $0x3;
	[sflag:s26] =	ssyncset.done $0x0  }
0x31: {  	s24 =	simm.s32 @!p1 $0xD;
	s22 =	sadd.s32 s17, s22;
	[sflag:s26] =	ssyncadd.s32 $0xFFFFE000  }
0x32: {  	[hbm4b:s22+s3] =	stream.strided.scatter [tilespmem:s18], [sflag:$0xB], $0x2000, s13, s3, $0x38;
	[tilespmem:$0x17000] =	vst v63  }
0x33: {  	s10 =	sshrl.u32 @!p0 s10, $0x2;
	s14 =	sadd.s32 s19, s14;
	_ =	swait.ge @!p1 [sflag:s24], $0x2000  }
0x34: {  	s11 =	sadd.s32 s15, s11;
	[sflag:s24] =	ssyncset.done @!p1 $0x0;
	s18 =	rddreg [dreg:$0x5]  }
0x35: {  	s7 =	sor.u32 s4, s30;
	s21 =	sor.u32 s4, s18;
	[sflag:s24] =	ssyncadd.s32 @!p1 $0xFFFFE000  }
0x36: {  	s24 =	simm.s32 $0xF000;
	s30 =	sor.u32 s18, s20;
	s18 =	simm.s32 $0x4  }
0x37: {  	[tilespmem:s24], [sflag:$0x5] =	stream.indirect.gather [hbm4b:s5+s8], $0x40, s11, s8, $0xb8;
	[tilespmem:$0x17000] =	vst v63  }
0x38: {  	s1 =	sor.u32 s1, s15;
	s6 =	sor.u32 s6, s21;
	_ =	swait.ge [sflag:s18], $0x2000  }
0x39: {  	s1 =	sshrl.u32 s1, $0x3;
	s6 =	sshrl.u32 s6, $0x3;
	[sflag:s18] =	ssyncset.done $0x0  }
0x3a: {  	s23 =	simm.s32 @!p2 $0xE;
	s6 =	sadd.s32 s17, s6;
	[sflag:s18] =	ssyncadd.s32 $0xFFFFE000  }
0x3b: {  	[hbm4b:s6+s3] =	stream.strided.scatter [tilespmem:s25], [sflag:$0xC], $0x2000, s13, s3, $0x38;
	[tilespmem:$0x17000] =	vst v63  }
0x3c: {  	s19 =	sor.u32 s0, s19;
	s1 =	sadd.s32 s17, s1;
	_ =	swait.ge @!p2 [sflag:s23], $0x2000  }
0x3d: {  	s0 =	sadd.s32 s20, s9;
	s26 =	simm.s32 $0x11000;
	[sflag:s23] =	ssyncset.done @!p2 $0x0  }
0x3e: {  	s21 =	sadd.s32 s20, s16;
	s16 =	simm.s32 $0x5;
	[sflag:s23] =	ssyncadd.s32 @!p2 $0xFFFFE000  }
0x3f: {  	[tilespmem:s26], [sflag:$0x6] =	stream.indirect.gather [hbm4b:s5+s8], $0x40, s14, s8, $0xb8;
	[tilespmem:$0x17000] =	vst v63  }
0x40: {  	s22 =	simm.s32 $0x180;
	s30 =	sor.u32 s4, s30;
	_ =	swait.ge [sflag:s16], $0x2000  }
0x41: {  	s4 =	sor.u32 s4, s19;
	s19 =	sand.u32 $0x380, s22;
	[sflag:s16] =	ssyncset.done $0x0  }
0x42: {  	s4 =	sshrl.u32 s4, $0x3;
	s14 =	simm.s32 @!p4 $0xF;
	[sflag:s16] =	ssyncadd.s32 $0xFFFFE000  }
0x43: {  	[hbm4b:s1+s3] =	stream.strided.scatter [tilespmem:s24], [sflag:$0xD], $0x2000, s13, s3, $0x38;
	[tilespmem:$0x17000] =	vst v63  }
0x44: {  	s30 =	sshrl.u32 s30, $0x3;
	s18 =	simm.s32 $0x6;
	_ =	swait.ge @!p4 [sflag:s14], $0x2000  }
0x45: {  	s6 =	simm.s32 $0x200;
	s25 =	sshrl.u32 s7, $0x3;
	[sflag:s14] =	ssyncset.done @!p4 $0x0  }
0x46: {  	s25 =	sadd.s32 s17, s25;
	p2 =	por p0, p0;
	[sflag:s14] =	ssyncadd.s32 @!p4 $0xFFFFE000  }
0x47: {  	[tilespmem:s28], [sflag:$0x7] =	stream.indirect.gather [hbm4b:s5+s8], $0x40, s21, s8, $0xb8;
	[tilespmem:$0x17000] =	vst v63  }
0x48: {  	p0 =	por p3, p3;
	s23 =	sadd.s32 s17, s30;
	_ =	swait.ge [sflag:s18], $0x2000  }
0x49: {  	s20 =	simm.s32 @!p2 $0x7000;
	s28 =	sor.u32 @!p2 s2, s10;
	[sflag:s18] =	ssyncset.done $0x0  }
0x4a: {  	s21 =	sadd.s32 s17, s4;
	s10 =	simm.s32 @!p1 $0x10;
	[sflag:s18] =	ssyncadd.s32 $0xFFFFE000  }
0x4b: {  	[hbm4b:s21+s3] =	stream.strided.scatter [tilespmem:s26], [sflag:$0xE], $0x2000, s13, s3, $0x38;
	[tilespmem:$0x17000] =	vst v63  }
0x4c: {  	s16 =	simm.s32 @!p2 $0x80;
	s1 =	simm.s32 @!p3 $0x200;
	_ =	swait.ge @!p1 [sflag:s10], $0x2000  }
0x4d: {  	s24 =	simm.s32 @!p2 $0x9;
	s11 =	sand.u32 @!p3 $0x300, s1;
	[sflag:s10] =	ssyncset.done @!p1 $0x0  }
0x4e: {  	s1 =	simm.s32 $0xD;
	s14 =	simm.s32 $0x2000;
	[sflag:s10] =	ssyncadd.s32 @!p1 $0xFFFFE000  }
0x4f: {  	[tilespmem:s31], [sflag:$0x8] =	stream.indirect.gather [hbm4b:s5+s8], $0x40, s0, s8, $0xb8;
	[tilespmem:$0x17000] =	vst v63  }
0x50: {  	p4 =	por $0x0, $0x0;
	s2 =	sand.u32 @!p0 $0x3C000, s14;
	s31 =	simm.s32 $0x7  }
0x51: {  	s4 =	sand.u32 $0x300, s12;
	s10 =	sand.u32 $0x1C00, s12;
	_ =	swait.ge [sflag:s31], $0x2000  }
0x52: {  	s26 =	simm.s32 $0x1000;
	s15 =	sor.u32 s29, s10;
	[sflag:s31] =	ssyncset.done $0x0  }
.LBB2_2:
0x53: {  	s30 =	sadd.s32 $0xA0, s12  }
0x54: {  	s22 =	sor.u32 $0x80, s4;
	s0 =	simm.s32 $0x7;
	s5 =	smov.u32 s11  }
0x55: {  	p1 =	por p4, p4;
	s3 =	simm.s32 $0x40;
	s21 =	simm.s32 $0x1C00  }
0x56: {  	s7 =	simm.s32 $0x13000;
	s8 =	sand.u32 $0x1C000, s26;
	s17 =	simm.s32 $0x8  }
0x57: {  	[sflag:s0] =	ssyncadd.s32 $0xFFFFE000;
	[dreg:$0x8] =	wrdreg s5;
	s11 =	sshrl.u32 s8, $0x2  }
0x58: {  	[hbm4b:s25+s3] =	stream.strided.scatter [tilespmem:s7], [sflag:$0xF], $0x2000, s21, s3, $0x38;
	[tilespmem:$0x17000] =	vst v63  }
0x59: {  	s8 =	smov.u32 s29;
	s29 =	sor.u32 s4, s15;
	_ =	swait.ge @!p2 [sflag:s24], $0x2000  }
0x5a: {  	s31 =	simm.s32 @!p1 $0xA;
	s13 =	rddreg [dreg:$0x4];
	[sflag:s24] =	ssyncset.done @!p2 $0x0  }
0x5b: {  	s25 =	sand.u32 $0x380, s30;
	s5 =	rddreg [dreg:$0x6];
	[sflag:s24] =	ssyncadd.s32 @!p2 $0xFFFFE000  }
0x5c: {  	[tilespmem:s20], [sflag:$0x1] =	stream.indirect.gather @!p2 [hbm4b:s5+s16], $0x40, s28, s16, $0xb8;
	[tilespmem:$0x17000] =	vst v63  }
0x5d: {  	s30 =	sor.u32 $0x400, s11;
	s9 =	sor.u32 s13, s22;
	_ =	swait.ge [sflag:s17], $0x2000  }
0x5e: {  	s24 =	sor.u32 s4, s30;
	s26 =	sor.u32 s10, s9;
	[sflag:s17] =	ssyncset.done $0x0  }
0x5f: {  	s20 =	simm.s32 $0x15000;
	s9 =	rddreg [dreg:$0x3];
	[sflag:s17] =	ssyncadd.s32 $0xFFFFE000  }
0x60: {  	[hbm4b:s23+s3] =	stream.strided.scatter [tilespmem:s20], [sflag:$0x10], $0x2000, s21, s3, $0x38;
	[tilespmem:$0x17000] =	vst v63  }
0x61: {  	s18 =	sor.u32 s10, s9;
	s17 =	simm.s32 $0x80;
	_ =	swait.ge @!p1 [sflag:s31], $0x2000  }
0x62: {  	s16 =	sor.u32 s4, s18;
	s18 =	simm.s32 $0x9000;
	[sflag:s31] =	ssyncset.done @!p1 $0x0  }
0x63: {  	[sflag:s31] =	ssyncadd.s32 @!p1 $0xFFFFE000;
	s31 =	sshrl.u32 s29, $0x3;
	s29 =	simm.s32 $0x1  }
0x64: {  	[tilespmem:s18], [sflag:$0x2] =	stream.indirect.gather [hbm4b:s5+s17], $0x40, s24, s17, $0xb8;
	[tilespmem:$0x17000] =	vst v63  }
0x65: {  	_ =	swait.ge [sflag:s29], $0x2000  }
0x66: {  	s0 =	sshrl.u32 s16, $0x3;
	s16 =	sadd.s32 s25, s30;
	s30 =	rddreg [dreg:$0x7]  }
0x67: {  	s25 =	sor.u32 s9, s25;
	s9 =	rddreg [dreg:$0x5]  }
0x68: {  	[sflag:s29] =	ssyncset.done $0x0;
	s24 =	sadd.s32 s30, s31;
	s31 =	sor.u32 s9, s22  }
0x69: {  	[sflag:s29] =	ssyncadd.s32 $0xFFFFE000;
	s23 =	sor.u32 s10, s31  }
0x6a: {  	s29 =	simm.s32 @!p1 $0xB;
	[dreg:$0x9] =	wrdreg s23;
	s23 =	simm.s32 $0x7000  }
0x6b: {  	[hbm4b:s24+s3] =	stream.strided.scatter [tilespmem:s23], [sflag:$0x9], $0x2000, s21, s3, $0x38;
	[tilespmem:$0x17000] =	vst v63  }
0x6c: {  	s13 =	sor.u32 s10, s13;
	s28 =	sadd.s32 $0x800, s11;
	_ =	swait.ge @!p1 [sflag:s29], $0x2000  }
0x6d: {  	s7 =	sadd.s32 s4, s28;
	s24 =	sor.u32 s4, s13;
	[sflag:s29] =	ssyncset.done @!p1 $0x0  }
0x6e: {  	s13 =	simm.s32 $0xB000;
	[sflag:s29] =	ssyncadd.s32 @!p1 $0xFFFFE000;
	s29 =	simm.s32 $0x2  }
0x6f: {  	[tilespmem:s13], [sflag:$0x3] =	stream.indirect.gather [hbm4b:s5+s17], $0x40, s7, s17, $0xb8;
	[tilespmem:$0x17000] =	vst v63  }
0x70: {  	s20 =	sadd.s32 s19, s11;
	s11 =	sadd.s32 $0xC00, s11;
	_ =	swait.ge [sflag:s29], $0x2000  }
0x71: {  	s0 =	sadd.s32 s30, s0;
	s31 =	sor.u32 s10, s25;
	[sflag:s29] =	ssyncset.done $0x0  }
0x72: {  	s25 =	sshrl.u32 s26, $0x3;
	s26 =	simm.s32 @!p1 $0xC;
	[sflag:s29] =	ssyncadd.s32 $0xFFFFE000  }
0x73: {  	[hbm4b:s0+s3] =	stream.strided.scatter [tilespmem:s18], [sflag:$0xA], $0x2000, s21, s3, $0x38;
	[tilespmem:$0x17000] =	vst v63  }
0x74: {  	s28 =	sadd.s32 s22, s28;
	s23 =	sadd.s32 s22, s11;
	_ =	swait.ge @!p1 [sflag:s26], $0x2000  }
0x75: {  	s22 =	sshrl.u32 s31, $0x3;
	s31 =	simm.s32 $0x3;
	[sflag:s26] =	ssyncset.done @!p1 $0x0  }
0x76: {  	s7 =	sadd.s32 s4, s11;
	[sflag:s26] =	ssyncadd.s32 @!p1 $0xFFFFE000;
	s26 =	simm.s32 $0xD000  }
0x77: {  	[tilespmem:s26], [sflag:$0x4] =	stream.indirect.gather [hbm4b:s5+s17], $0x40, s7, s17, $0xb8;
	[tilespmem:$0x17000] =	vst v63  }
0x78: {  	s12 =	smov.u32 s6;
	s6 =	sadd.s32 $0x100, s6;
	_ =	swait.ge [sflag:s31], $0x2000  }
0x79: {  	s2 =	sshrl.u32 @!p0 s2, $0x2;
	s0 =	sshrl.u32 s24, $0x3;
	[sflag:s31] =	ssyncset.done $0x0  }
0x7a: {  	s0 =	sadd.s32 s30, s0;
	s7 =	simm.s32 @!p1 $0xD;
	[sflag:s31] =	ssyncadd.s32 $0xFFFFE000  }
0x7b: {  	[hbm4b:s0+s3] =	stream.strided.scatter [tilespmem:s13], [sflag:$0xB], $0x2000, s21, s3, $0x38;
	[tilespmem:$0x17000] =	vst v63  }
0x7c: {  	s14 =	sadd.s32 $0x1000, s14;
	p4 =	seq.s32 s12, $0x1800;
	_ =	swait.ge @!p1 [sflag:s7], $0x2000  }
0x7d: {  	p2 =	por p0, p0;
	p0 =	por p4, p4;
	[sflag:s7] =	ssyncset.done @!p1 $0x0  }
0x7e: {  	s11 =	sadd.s32 @!p4 $0x100, s12;
	s13 =	simm.s32 $0xF000;
	[sflag:s7] =	ssyncadd.s32 @!p1 $0xFFFFE000  }
0x7f: {  	[tilespmem:s13], [sflag:$0x5] =	stream.indirect.gather [hbm4b:s5+s17], $0x40, s20, s17, $0xb8;
	[tilespmem:$0x17000] =	vst v63  }
0x80: {  	s11 =	sand.u32 @!p4 $0x300, s11;
	s18 =	sor.u32 s10, s9;
	s20 =	simm.s32 $0x4  }
0x81: {  	s24 =	sor.u32 s4, s18;
	s18 =	sadd.s32 $0xFFFFFFFF, s1;
	_ =	swait.ge [sflag:s20], $0x2000  }
0x82: {  	s4 =	sshrl.u32 s24, $0x3;
	p4 =	slt.u32 s18, $0x7;
	[sflag:s20] =	ssyncset.done $0x0  }
0x83: {  	s10 =	sadd.s32 s30, s4;
	s7 =	simm.s32 @!p4 $0xE;
	[sflag:s20] =	ssyncadd.s32 $0xFFFFE000  }
0x84: {  	[hbm4b:s10+s3] =	stream.strided.scatter [tilespmem:s26], [sflag:$0xC], $0x2000, s21, s3, $0x38;
	[tilespmem:$0x17000] =	vst v63  }
0x85: {  	p3 =	sne.s32 s6, $0x1900;
	s25 =	sadd.s32 s30, s25;
	_ =	swait.ge @!p4 [sflag:s7], $0x2000  }
0x86: {  	s29 =	smov.u32 s8;
	s9 =	simm.s32 $0x5;
	[sflag:s7] =	ssyncset.done @!p4 $0x0  }
0x87: {  	s24 =	sor.u32 s15, s19;
	s31 =	simm.s32 $0x11000;
	[sflag:s7] =	ssyncadd.s32 @!p4 $0xFFFFE000  }
0x88: {  	[tilespmem:s31], [sflag:$0x6] =	stream.indirect.gather [hbm4b:s5+s17], $0x40, s16, s17, $0xb8;
	[tilespmem:$0x17000] =	vst v63  }
0x89: {  	s15 =	sadd.s32 s30, s22;
	s18 =	sadd.s32 $0x80, s12;
	_ =	swait.ge [sflag:s9], $0x2000  }
0x8a: {  	s4 =	sshrl.u32 s24, $0x3;
	p4 =	slt.u32 s1, $0x7;
	[sflag:s9] =	ssyncset.done $0x0  }
0x8b: {  	s26 =	sadd.s32 s30, s4;
	s0 =	simm.s32 @!p4 $0xF;
	[sflag:s9] =	ssyncadd.s32 $0xFFFFE000  }
0x8c: {  	[hbm4b:s26+s3] =	stream.strided.scatter [tilespmem:s13], [sflag:$0xD], $0x2000, s21, s3, $0x38;
	[tilespmem:$0x17000] =	vst v63  }
0x8d: {  	s22 =	simm.s32 $0x15000;
	s24 =	simm.s32 @!p2 $0x9;
	_ =	swait.ge @!p4 [sflag:s0], $0x2000  }
0x8e: {  	s20 =	simm.s32 @!p2 $0x7000;
	s10 =	simm.s32 $0x13000;
	[sflag:s0] =	ssyncset.done @!p4 $0x0  }
0x8f: {  	s4 =	sand.u32 $0x300, s12;
	s13 =	simm.s32 $0x6;
	[sflag:s0] =	ssyncadd.s32 @!p4 $0xFFFFE000  }
0x90: {  	[tilespmem:s10], [sflag:$0x7] =	stream.indirect.gather [hbm4b:s5+s17], $0x40, s28, s17, $0xb8;
	[tilespmem:$0x17000] =	vst v63  }
0x91: {  	s1 =	sadd.s32 $0x8, s1;
	s16 =	simm.s32 @!p2 $0x80;
	_ =	swait.ge [sflag:s13], $0x2000  }
0x92: {  	s26 =	sadd.s32 $0xFFFFF000, s14;
	s7 =	rddreg [dreg:$0x8];
	[sflag:s13] =	ssyncset.done $0x0  }
0x93: {  	s28 =	sor.u32 @!p2 s7, s2;
	[sflag:s13] =	ssyncadd.s32 $0xFFFFE000;
	s7 =	simm.s32 @!p1 $0x10  }
0x94: {  	[hbm4b:s15+s3] =	stream.strided.scatter [tilespmem:s31], [sflag:$0xE], $0x2000, s21, s3, $0x38;
	[tilespmem:$0x17000] =	vst v63  }
0x95: {  	p4 =	seq.s32 s12, $0x0;
	s10 =	sand.u32 $0x1C00, s12;
	_ =	swait.ge @!p1 [sflag:s7], $0x2000  }
.Ltmp0:
0x96: {  	s2 =	sand.u32 @!p0 $0x3C000, s14;
	[sflag:s7] =	ssyncset.done @!p1 $0x0;
	(pc) =	sbr.rel @p3 .LBB2_2-.Ltmp0, $4  }
0x97: {  	s31 =	simm.s32 $0x7;
	s19 =	rddreg [dreg:$0x9];
	[sflag:s7] =	ssyncadd.s32 @!p1 $0xFFFFE000  }
0x98: {  	[tilespmem:s22], [sflag:$0x8] =	stream.indirect.gather [hbm4b:s5+s17], $0x40, s23, s17, $0xb8;
	[tilespmem:$0x17000] =	vst v63  }
0x99: {  	s15 =	sor.u32 s8, s10;
	s21 =	sshrl.u32 s19, $0x3;
	_ =	swait.ge [sflag:s31], $0x2000  }
0x9a: {  	s19 =	sand.u32 $0x380, s18;
	s23 =	sadd.s32 s30, s21;
	[sflag:s31] =	ssyncset.done $0x0  }
0x9b: {  	s31 =	simm.s32 $0x7;
	s3 =	simm.s32 $0x40  }
0x9c: {  	s18 =	simm.s32 $0x1C00;
	s30 =	simm.s32 $0x13000;
	[sflag:s31] =	ssyncadd.s32 $0xFFFFE000  }
0x9d: {  	[hbm4b:s25+s3] =	stream.strided.scatter [tilespmem:s30], [sflag:$0xF], $0x2000, s18, s3, $0x38;
	[tilespmem:$0x17000] =	vst v63  }
0x9e: {  	_ =	swait.ge @!p2 [sflag:s24], $0x2000  }
0x9f: {  	[sflag:s24] =	ssyncset.done @!p2 $0x0  }
0xa0: {  	s25 =	simm.s32 $0x8;
	s5 =	rddreg [dreg:$0x6];
	[sflag:s24] =	ssyncadd.s32 @!p2 $0xFFFFE000  }
0xa1: {  	[tilespmem:s20], [sflag:$0x1] =	stream.indirect.gather @!p2 [hbm4b:s5+s16], $0x40, s28, s16, $0xb8;
	[tilespmem:$0x17000] =	vst v63  }
0xa2: {  	_ =	swait.ge [sflag:s25], $0x2000  }
0xa3: {  	p1 =	por p4, p4;
	s0 =	sand.u32 $0x1C000, s26;
	[sflag:s25] =	ssyncset.done $0x0  }
0xa4: {  	s6 =	simm.s32 @!p1 $0xA;
	s24 =	simm.s32 $0x15000;
	[sflag:s25] =	ssyncadd.s32 $0xFFFFE000  }
0xa5: {  	[hbm4b:s23+s3] =	stream.strided.scatter [tilespmem:s24], [sflag:$0x10], $0x2000, s18, s3, $0x38;
	[tilespmem:$0x17000] =	vst v63  }
0xa6: {  	s17 =	simm.s32 $0x80;
	s0 =	sshrl.u32 s0, $0x2;
	_ =	swait.ge @!p1 [sflag:s6], $0x2000  }
0xa7: {  	s9 =	simm.s32 $0x9000;
	s14 =	sor.u32 $0x400, s0;
	[sflag:s6] =	ssyncset.done @!p1 $0x0  }
0xa8: {  	s7 =	sor.u32 s4, s14;
	s16 =	simm.s32 $0x1;
	[sflag:s6] =	ssyncadd.s32 @!p1 $0xFFFFE000  }
0xa9: {  	[tilespmem:s9], [sflag:$0x2] =	stream.indirect.gather [hbm4b:s5+s17], $0x40, s7, s17, $0xb8;
	[tilespmem:$0x17000] =	vst v63  }
0xaa: {  	s13 =	sor.u32 s4, s15;
	s8 =	simm.s32 $0x7000;
	_ =	swait.ge [sflag:s16], $0x2000  }
0xab: {  	s6 =	sshrl.u32 s13, $0x3;
	[sflag:s16] =	ssyncset.done $0x0;
	s21 =	rddreg [dreg:$0x7]  }
0xac: {  	s7 =	simm.s32 @!p1 $0xB;
	s6 =	sadd.s32 s21, s6;
	[sflag:s16] =	ssyncadd.s32 $0xFFFFE000  }
0xad: {  	[hbm4b:s6+s3] =	stream.strided.scatter [tilespmem:s8], [sflag:$0x9], $0x2000, s18, s3, $0x38;
	[tilespmem:$0x17000] =	vst v63  }
0xae: {  	s26 =	simm.s32 $0x2;
	s13 =	simm.s32 $0xB000;
	_ =	swait.ge @!p1 [sflag:s7], $0x2000  }
0xaf: {  	s6 =	sadd.s32 $0x800, s0;
	[sflag:s7] =	ssyncset.done @!p1 $0x0;
	s8 =	rddreg [dreg:$0x3]  }
0xb0: {  	s22 =	sadd.s32 s4, s6;
	s20 =	sor.u32 s10, s8;
	[sflag:s7] =	ssyncadd.s32 @!p1 $0xFFFFE000  }
0xb1: {  	[tilespmem:s13], [sflag:$0x3] =	stream.indirect.gather [hbm4b:s5+s17], $0x40, s22, s17, $0xb8;
	[tilespmem:$0x17000] =	vst v63  }
0xb2: {  	s23 =	sor.u32 s4, s20;
	_ =	swait.ge [sflag:s26], $0x2000  }
0xb3: {  	s7 =	sshrl.u32 s23, $0x3;
	[sflag:s26] =	ssyncset.done $0x0  }
0xb4: {  	s20 =	simm.s32 @!p1 $0xC;
	s7 =	sadd.s32 s21, s7;
	[sflag:s26] =	ssyncadd.s32 $0xFFFFE000  }
0xb5: {  	[hbm4b:s7+s3] =	stream.strided.scatter [tilespmem:s9], [sflag:$0xA], $0x2000, s18, s3, $0x38;
	[tilespmem:$0x17000] =	vst v63  }
0xb6: {  	s16 =	sadd.s32 $0xC00, s0;
	_ =	swait.ge @!p1 [sflag:s20], $0x2000  }
0xb7: {  	s22 =	sadd.s32 s4, s16;
	[sflag:s20] =	ssyncset.done @!p1 $0x0  }
0xb8: {  	s9 =	rddreg [dreg:$0x4];
	[sflag:s20] =	ssyncadd.s32 @!p1 $0xFFFFE000;
	s20 =	simm.s32 $0xD000  }
0xb9: {  	[tilespmem:s20], [sflag:$0x4] =	stream.indirect.gather [hbm4b:s5+s17], $0x40, s22, s17, $0xb8;
	[tilespmem:$0x17000] =	vst v63  }
0xba: {  	s23 =	sor.u32 s10, s9;
	s22 =	simm.s32 $0x3  }
0xbb: {  	s7 =	sor.u32 s4, s23;
	_ =	swait.ge [sflag:s22], $0x2000  }
0xbc: {  	s7 =	sshrl.u32 s7, $0x3;
	[sflag:s22] =	ssyncset.done $0x0  }
0xbd: {  	s7 =	sadd.s32 s21, s7;
	[sflag:s22] =	ssyncadd.s32 $0xFFFFE000  }
0xbe: {  	[hbm4b:s7+s3] =	stream.strided.scatter [tilespmem:s13], [sflag:$0xB], $0x2000, s18, s3, $0x38;
	[tilespmem:$0x17000] =	vst v63  }
0xbf: {  	s7 =	simm.s32 @!p1 $0xD  }
0xc0: {  	s0 =	sadd.s32 s19, s0;
	_ =	swait.ge @!p1 [sflag:s7], $0x2000  }
0xc1: {  	s23 =	simm.s32 $0x4;
	[sflag:s7] =	ssyncset.done @!p1 $0x0;
	s13 =	rddreg [dreg:$0x5]  }
0xc2: {  	s22 =	simm.s32 $0xF000;
	[sflag:s7] =	ssyncadd.s32 @!p1 $0xFFFFE000;
	s26 =	sor.u32 s10, s13  }
0xc3: {  	[tilespmem:s22], [sflag:$0x5] =	stream.indirect.gather [hbm4b:s5+s17], $0x40, s0, s17, $0xb8;
	[tilespmem:$0x17000] =	vst v63  }
0xc4: {  	s7 =	sor.u32 s4, s26;
	_ =	swait.ge [sflag:s23], $0x2000  }
0xc5: {  	s26 =	sadd.s32 $0xFFFFFFFF, s1;
	s0 =	sshrl.u32 s7, $0x3;
	[sflag:s23] =	ssyncset.done $0x0  }
0xc6: {  	p2 =	slt.u32 s26, $0x7;
	s0 =	sadd.s32 s21, s0;
	[sflag:s23] =	ssyncadd.s32 $0xFFFFE000  }
0xc7: {  	[hbm4b:s0+s3] =	stream.strided.scatter [tilespmem:s20], [sflag:$0xC], $0x2000, s18, s3, $0x38;
	[tilespmem:$0x17000] =	vst v63  }
0xc8: {  	s0 =	simm.s32 @!p2 $0xE  }
0xc9: {  	s12 =	sadd.s32 $0xA0, s12;
	_ =	swait.ge @!p2 [sflag:s0], $0x2000  }
0xca: {  	s7 =	sand.u32 $0x380, s12;
	s12 =	simm.s32 $0x11000;
	[sflag:s0] =	ssyncset.done @!p2 $0x0  }
0xcb: {  	s14 =	sadd.s32 s7, s14;
	s23 =	simm.s32 $0x5;
	[sflag:s0] =	ssyncadd.s32 @!p2 $0xFFFFE000  }
0xcc: {  	[tilespmem:s12], [sflag:$0x6] =	stream.indirect.gather [hbm4b:s5+s17], $0x40, s14, s17, $0xb8;
	[tilespmem:$0x17000] =	vst v63  }
0xcd: {  	s20 =	sor.u32 s15, s19;
	_ =	swait.ge [sflag:s23], $0x2000  }
0xce: {  	s0 =	sshrl.u32 s20, $0x3;
	[sflag:s23] =	ssyncset.done $0x0  }
0xcf: {  	p2 =	slt.u32 s1, $0x7;
	s0 =	sadd.s32 s21, s0;
	[sflag:s23] =	ssyncadd.s32 $0xFFFFE000  }
0xd0: {  	[hbm4b:s0+s3] =	stream.strided.scatter [tilespmem:s22], [sflag:$0xD], $0x2000, s18, s3, $0x38;
	[tilespmem:$0x17000] =	vst v63  }
0xd1: {  	s0 =	simm.s32 @!p2 $0xF  }
0xd2: {  	s26 =	sor.u32 $0x80, s4;
	_ =	swait.ge @!p2 [sflag:s0], $0x2000  }
0xd3: {  	s6 =	sadd.s32 s26, s6;
	[sflag:s0] =	ssyncset.done @!p2 $0x0  }
0xd4: {  	s8 =	sor.u32 s8, s7;
	s14 =	simm.s32 $0x6;
	[sflag:s0] =	ssyncadd.s32 @!p2 $0xFFFFE000  }
0xd5: {  	[tilespmem:s30], [sflag:$0x7] =	stream.indirect.gather [hbm4b:s5+s17], $0x40, s6, s17, $0xb8;
	[tilespmem:$0x17000] =	vst v63  }
0xd6: {  	s0 =	sor.u32 s10, s8;
	_ =	swait.ge [sflag:s14], $0x2000  }
0xd7: {  	s0 =	sshrl.u32 s0, $0x3;
	[sflag:s14] =	ssyncset.done $0x0  }
0xd8: {  	s0 =	sadd.s32 s21, s0;
	[sflag:s14] =	ssyncadd.s32 $0xFFFFE000  }
0xd9: {  	[hbm4b:s0+s3] =	stream.strided.scatter [tilespmem:s12], [sflag:$0xE], $0x2000, s18, s3, $0x38;
	[tilespmem:$0x17000] =	vst v63  }
0xda: {  	s0 =	simm.s32 @!p1 $0x10  }
0xdb: {  	_ =	swait.ge @!p1 [sflag:s0], $0x2000  }
0xdc: {  	[sflag:s0] =	ssyncset.done @!p1 $0x0  }
0xdd: {  	s15 =	sadd.s32 s26, s16;
	s16 =	sor.u32 s9, s26;
	[sflag:s0] =	ssyncadd.s32 @!p1 $0xFFFFE000  }
0xde: {  	[tilespmem:s24], [sflag:$0x8] =	stream.indirect.gather [hbm4b:s5+s17], $0x40, s15, s17, $0xb8;
	[tilespmem:$0x17000] =	vst v63  }
0xdf: {  	s0 =	sor.u32 s10, s16;
	_ =	swait.ge [sflag:s31], $0x2000  }
0xe0: {  	s0 =	sshrl.u32 s0, $0x3;
	[sflag:s31] =	ssyncset.done $0x0  }
0xe1: {  	p1 =	por p0, p0;
	s0 =	sadd.s32 s21, s0;
	[sflag:s31] =	ssyncadd.s32 $0xFFFFE000  }
0xe2: {  	[hbm4b:s0+s3] =	stream.strided.scatter [tilespmem:s30], [sflag:$0xF], $0x2000, s18, s3, $0x38;
	[tilespmem:$0x17000] =	vst v63  }
0xe3: {  	s0 =	simm.s32 @!p1 $0x9  }
0xe4: {  	s2 =	sshrl.u32 @!p0 s2, $0x2;
	_ =	swait.ge @!p1 [sflag:s0], $0x2000  }
0xe5: {  	s2 =	sor.u32 @!p1 s11, s2;
	s4 =	simm.s32 @!p1 $0x80;
	[sflag:s0] =	ssyncset.done @!p1 $0x0  }
0xe6: {  	s17 =	sor.u32 s13, s26;
	[sflag:s0] =	ssyncadd.s32 @!p1 $0xFFFFE000;
	s0 =	simm.s32 @!p1 $0x7000  }
0xe7: {  	[tilespmem:s0], [sflag:$0x1] =	stream.indirect.gather @!p1 [hbm4b:s5+s4], $0x40, s2, s4, $0xb8;
	[tilespmem:$0x17000] =	vst v63  }
0xe8: {  	s0 =	sor.u32 s10, s17;
	_ =	swait.ge [sflag:s25], $0x2000  }
0xe9: {  	s0 =	sshrl.u32 s0, $0x3;
	[sflag:s25] =	ssyncset.done $0x0  }
0xea: {  	s0 =	sadd.s32 s21, s0;
	[sflag:s25] =	ssyncadd.s32 $0xFFFFE000  }
0xeb: {  	[hbm4b:s0+s3] =	stream.strided.scatter [tilespmem:s24], [sflag:$0x10], $0x2000, s18, s3, $0x38;
	[tilespmem:$0x17000] =	vst v63  }
0xec: {  	s18 =	simm.s32 $0x9  }
0xed: {  	_ =	swait.ge [sflag:s18], $0x2000  }
0xee: {  	[sflag:s18] =	ssyncset.done $0x0  }
0xef: {  	s19 =	simm.s32 $0xA;
	[sflag:s18] =	ssyncadd.s32 $0xFFFFE000  }
0xf0: {  	_ =	swait.ge [sflag:s19], $0x2000  }
0xf1: {  	[sflag:s19] =	ssyncset.done $0x0  }
0xf2: {  	s20 =	simm.s32 $0xB;
	[sflag:s19] =	ssyncadd.s32 $0xFFFFE000  }
0xf3: {  	_ =	swait.ge [sflag:s20], $0x2000  }
0xf4: {  	[sflag:s20] =	ssyncset.done $0x0  }
0xf5: {  	s21 =	simm.s32 $0xC;
	[sflag:s20] =	ssyncadd.s32 $0xFFFFE000  }
0xf6: {  	_ =	swait.ge [sflag:s21], $0x2000  }
0xf7: {  	[sflag:s21] =	ssyncset.done $0x0  }
0xf8: {  	s22 =	simm.s32 $0xD;
	[sflag:s21] =	ssyncadd.s32 $0xFFFFE000  }
0xf9: {  	_ =	swait.ge [sflag:s22], $0x2000  }
0xfa: {  	[sflag:s22] =	ssyncset.done $0x0  }
0xfb: {  	s23 =	simm.s32 $0xE;
	[sflag:s22] =	ssyncadd.s32 $0xFFFFE000  }
0xfc: {  	_ =	swait.ge [sflag:s23], $0x2000  }
0xfd: {  	[sflag:s23] =	ssyncset.done $0x0  }
0xfe: {  	s24 =	simm.s32 $0xF;
	[sflag:s23] =	ssyncadd.s32 $0xFFFFE000  }
0xff: {  	_ =	swait.ge [sflag:s24], $0x2000  }
0x100: {  	[sflag:s24] =	ssyncset.done $0x0  }
0x101: {  	s25 =	simm.s32 $0x10;
	[sflag:s24] =	ssyncadd.s32 $0xFFFFE000  }
0x102: {  	_ =	swait.ge [sflag:s25], $0x2000  }
0x103: {  	s26 =	rddreg [dreg:$0xc]  }
0x104: {  	s30 =	rddreg [dreg:$0xb];
	s2 =	sadd.s32 $0x1, s26  }
0x105: {  	p0 =	sne.s32 s2, s30  }
.Ltmp1:
0x106: {  	_ = 	snop;
	(pc) =	sbr.rel @p0 .LBB2_1-.Ltmp1, $3  }
0x107: {  	_ =	sdelay $0x1  }
0x108: {  	[sflag:s25] =	ssyncset.done $0x0  }
0x109: {  	s28 =	simm.s32 $0x13000;
	s31 =	simm.s32 $0x15000;
	[sflag:s25] =	ssyncadd.s32 $0xFFFFE000  }
0x10a: {  	_ =	sfence.sel $0x180000  }
0x10b: {  	[bflag:$0x0] =	sbarrier.arrive $0xFFFF  }
0x10c: {  	_ =	strace $0x90000047  }
0x10d: {  	s0 =	stileid.u32;
	[bflag:$0x2] =	sbarrier.arrive $0xFFFF  }
0x10e: {  	p0 =	sne.s32 s0, $0x0;
	s0 =	rddreg [dreg:$0x2]  }
0x10f: {  	s0 =	sadd.s32 @!p0 $0x100000, s0  }
0x110: {  	[sflag:s0] =	ssyncadd.tile.s32 @!p0 $0x1;
	_ =	shalt  }
.Lfunc_end2:
_tile_overlayer_lowered:
.L_overlay_start_2:
0x111: {  	(tag) =	ssettag $0x2  }
0x112: {  	s0 =	rddreg [dreg:$0x0];
	s2 =	stileid.u32  }
0x113: {  	s1 =	rddreg [dreg:$0x1];
	p0 =	sne.s32 s2, $0x0  }
0x114: {  	s3 =	rddreg [dreg:$0x2];
	[bflag:$0x3] =	sbarrier.arrive $0xFFFF;
	s2 =	simm.s32 @!p0 $0x1C11  }
0x115: {  	[timem:s3], [sflag:s2] =	dma.local @!p0 [hbm:s0], s1  }
0x116: {  	s0 =	simm.s32 @!p0 $0x11  }
0x117: {  	_ =	swait.ge @!p0 [sflag:s0], s1  }
0x118: {  	s1 =	ssub.s32 @!p0 $0x0, s1;
	[sflag:s0] =	ssyncset.done @!p0 $0x0  }
0x119: {  	[sflag:s0] =	ssyncadd.s32 @!p0 s1  }
0x11a: {  	[bflag:$0x3] =	sbarrier.arrive $0xFFFF  }
0x11b: {  	_ =	shalt  }

// kernel: sparse-core-data-format-call.cloned.1.call-start
scs
called_computation_lowered:
.L_overlay_start_0:
0x0: {  	s2 =	sld [smem:$0x3FD9]  }
0x1: {  	s3 =	sld [smem:$0x3FFE];
	_ =	sdelay $0x1  }
0x2: {  	s1 =	srdreg.scid  }
0x3: {  	s0 =	sand.u32 $0x1, s1  }
0x4: {  	s18 =	sshll.u32 s0, $0xA;
	s2 =	sadd.s32 s3, s2  }
0x5: {  	s2 =	sadd.s32 s2, s18  }
0x6: {  	[smem:$0x3FC6] =	sst s2  }
0x7: {  	_ = 	snop  }
0x8: {  	s2 =	sld [smem:$0x3FD0];
	(tm) =	ssettm $0x1  }
0x9: {  	s19 =	sld [smem:$0x3FFB];
	_ =	sdelay $0x3  }
0xa: {  	_ =	strace s19  }
0xb: {  	s3 =	sld [smem:$0x3FFC];
	_ =	sdelay $0x3  }
0xc: {  	_ =	strace s3  }
0xd: {  	s3 =	sld [smem:$0x3FFD];
	_ =	sdelay $0x3  }
0xe: {  	_ =	strace s3  }
0xf: {  	_ =	strace $0x8FFFFFFF  }
0x10: {  	s20 =	sld [smem:$0x3FDB];
	_ =	sdelay $0x1  }
0x11: {  	s4 =	simm.s32 $_scs_section_size  }
0x12: {  	s5 =	simm.s32 $_size__tile_overlayer_lowered;
	s6 =	simm.s32 $_tile_overlayer_lowered  }
0x13: {  	s23 =	simm.s32 $0x1BFF;
	s22 =	sshll.u32 s6, $0x1;
	s3 =	sadd.s32 s4, s20  }
0x14: {  	s7 =	simm.s32 $0x0;
	s21 =	sshll.u32 s5, $0x1;
	s5 =	sadd.s32 s22, s3  }
0x15: {  	[timem:s7], [sflag:s23] =	dma.local [hbm:s5], s21  }
0x16: {  	_ =	swait.ge [sflag:s23], s21  }
0x17: {  	s4 =	ssub.s32 $0x0, s21;
	[sflag:s23] =	ssyncset.done $0x0  }
0x18: {  	[sflag:s23] =	ssyncadd.s32 s4;
	_ =	sdelay $0x1  }
0x19: {  	s24 =	simm.s32 $0x1B8B  }
0x1a: {  	_ =	swait.ge [sflag:s24], $0x1  }
0x1b: {  	[sflag:s24] =	ssyncset.done $0x0  }
0x1c: {  	s26 =	simm.s32 $0x1B8E;
	s25 =	sld [smem:$0x3FFE];
	[sflag:s24] =	ssyncadd.s32 $0xFFFFFFFF  }
0x1d: {  	s27 =	simm.s32 $execute0_lowered;
	[smem:$0x3FD2] =	sst s26  }
0x1e: {  	s5 =	sshll.u32 s27, $0x1;
	_ =	strace $0x80000049;
	[dreg:$0x1] =	wrdreg $0xFFFFFFFF  }
0x1f: {  	s28 =	simm.s32 $_size_execute0_lowered;
	s3 =	sadd.s32 s3, s5;
	[dreg:$0x0] =	wrdreg $0x0  }
0x20: {  	s5 =	sshll.u32 s28, $0x1;
	[dreg:$0x2] =	wrdreg s3  }
0x21: {  	[dreg:$0x3] =	wrdreg s5  }
0x22: {  	[dreg:$0x4] =	wrdreg $0xC0  }
0x23: {  	_ =	task [dreg:s7], $0x5FFFF  }
0x24: {  	[dreg:$0x1] =	wrdreg $0xFFFFFFFF  }
0x25: {  	[dreg:$0x0] =	wrdreg $0x60  }
0x26: {  	[dreg:$0x2] =	wrdreg s25  }
0x27: {  	[dreg:$0x3] =	wrdreg s2  }
0x28: {  	[dreg:$0x4] =	wrdreg $0x9  }
0x29: {  	_ =	task.clear_ibuf [dreg:s7], $0x5FFFF;
	_ =	strace $0x90000049  }
0x2a: {  	s29 =	simm.s32 $0x9;
	_ =	strace $0x8000004B  }
0x2b: {  	_ =	swait.ge [sflag:s29], $0x1  }
0x2c: {  	[sflag:s29] =	ssyncadd.s32 $0xFFFFFFFF  }
0x2d: {  	_ =	strace $0x9000004B  }
0x2e: {  	_ =	sfence  }
0x2f: {  	s30 =	sld [smem:$0x0];
	_ =	sdelay $0x2  }
0x30: {  	s31 =	sshll.u32 s1, $0xD;
	s1 =	sshrl.u32 s1, $0x2  }
0x31: {  	s3 =	sand.u32 $0x4000, s31;
	s1 =	sadd.s32 s1, s30  }
0x32: {  	s0 =	sor.u32 s3, s0;
	s1 =	sshll.u32 s1, $0x11  }
0x33: {  	s0 =	sor.u32 s1, s0  }
0x34: {  	s0 =	sadd.s32 $0x8F2B, s0  }
0x35: {  	[sflag:s0] =	ssyncadd.remote.s32 $0x1  }
0x36: {  	_ =	sfence.sel $0xFFFF  }
0x37: {  	[dreg:$0x0] =	wrdreg $0xFFFFFFFF;
	(pc) =	sbr.abs _section_cstart, $3  }
0x38: {  	[dreg:$0x1] =	wrdreg $0xFFFFFFFF  }
0x39: {  	_ =	task.clear_ibuf [dreg:s7], $0x2FFFF;
	_ =	strace $0x9FFFFFFF  }
0x3a: {  	(tm) =	ssettm $0x7FFFFFFF  }
0x3b: {  	_ =	shalt  }
tec
execute0_lowered:
.L_overlay_start_1:
0x0: {  	(tag) =	ssettag $0x1  }
0x1: {  	s0 =	srdreg.scid  }
0x2: {  	s1 =	sshll.u32 s0, $0x4  }
0x3: {  	s0 =	stileid.u32;
	s1 =	sand.u32 $0x10, s1  }
0x4: {  	s1 =	sor.u32 s0, s1  }
0x5: {  	s6 =	rddreg [dreg:$0x0];
	s4 =	simm.s32 $0x1;
	s2 =	sshll.u32 s1, $0x7  }
0x6: {  	s7 =	simm.s32 $0x2;
	s12 =	simm.s32 $0x0;
	s1 =	ssub.s32 $0x4000, s2  }
0x7: {  	s8 =	simm.s32 $0x20000;
	s13 =	simm.s32 $0x0;
	s3 =	sand.u32 $0xF80, s1  }
0x8: {  	s9 =	simm.s32 $0x0;
	s5 =	sshrl.u32 s1, $0xC;
	p0 =	sne.s32 s3, $0x0  }
.Ltmp0:
0x9: {  	s1 =	rddreg [dreg:$0x2];
	s4 =	simm.s32 @!p0 $0x0;
	(pc) =	sbr.rel .LBB1_1-.Ltmp0, $4  }
0xa: {  	s11 =	simm.s32 $0x0;
	s3 =	rddreg [dreg:$0x1];
	s5 =	sadd.s32 s4, s5  }
0xb: {  	_ =	strace $0x8000004A;
	s4 =	simm.s32 $0x1;
	s5 =	smul.u32 $0x32, s5  }
0xc: {  	s6 =	sadd.s32 $0xA00, s6;
	s10 =	smov.u32 s2;
	[sflag:s4] =	ssyncpa.u1 $0x0  }
0xd: {  	p0 =	por $0x0, $0x0;
	[sflag:s7] =	ssyncpa.u1 $0x0;
	s7 =	sor.u32 $0x1, s5  }
.LBB1_4:
0xe: {  	s16 =	sshll.u32 s13, $0x3;
	s17 =	sand.u32 $0x78, s13  }
0xf: {  	s30 =	sand.u32 $0x1F800, s13;
	s12 =	sshll.u32 s12, $0x11;
	s16 =	sand.u32 $0x3C00, s16  }
0x10: {  	[tilespmem:s15+$0x810 ss:$0x81] =	vst.msk $0xffff, v2;
	s31 =	sand.u32 $0x7, s13;
	s16 =	sor.u32 s17, s16;
	s17 =	sadd.s32 s3, s30  }
0x11: {  	[tilespmem:s15+$0x1020 ss:$0x81] =	vst.msk $0xffff, v0;
	s13 =	sshll.u32 s31, $0x12;
	s12 =	sadd.s32 s12, s17;
	s16 =	sshrl.u32 s16, $0x3  }
0x12: {  	[tilespmem:s15+$0x0 ss:$0x81] =	vst.msk $0xffff, v1;
	s13 =	sor.u32 $0x400, s13;
	s12 =	sadd.s32 s16, s12  }
0x13: {  	[hbm4b:s12+s13] =	stream.strided.scatter [tilespmem:s14], [sflag:$0x2], $0x2000, s8, s13, $0x20;
	[tilespmem:$0x8080] =	vst v63  }
.LBB1_5:
0x14: {  	s14 =	sadd.s32 $0x1, s9  }
0x15: {  	s12 =	sadd.s32 $0x1000, s10;
	s16 =	smov.u32 s10;
	p2 =	sgt.s32 s14, $0x31  }
0x16: {  	s16 =	smov.u32 @p2 s12  }
0x17: {  	s14 =	simm.s32 @p2 $0x0;
	p2 =	sgt.s32 s16, $0x3FFF  }
0x18: {  	s16 =	smov.u32 @p2 s2;
	p2 =	sne.s32 s11, s7  }
.Ltmp1:
0x19: {  	p1 =	slt.u32 s11, $0x2;
	(pc) =	sbr.rel @!p2 .LBB1_6-.Ltmp1, $4  }
0x1a: {  	s15 =	simm.s32 @!p1 $0x2  }
0x1b: {  	s13 =	smov.u32 s10;
	p0 =	por !p0, !p0;
	_ =	swait.ge @!p1 [sflag:s15], $0x2000  }
0x1c: {  	s12 =	smov.u32 s9;
	[sflag:s15] =	ssyncset.done @!p1 $0x0;
	s9 =	smov.u32 s14  }
0x1d: {  	s11 =	sadd.s32 $0x1, s11;
	[sflag:s15] =	ssyncadd.s32 @!p1 $0xFFFFE000;
	s10 =	smov.u32 s16  }
.LBB1_1:
0x1e: {  	p1 =	sge.u32 s11, s5  }
0x1f: {  	s14 =	sand.u32 @!p1 $0x1FFFFFF, s9  }
0x20: {  	s15 =	smulhi.u32 @!p1 $0x4924925, s14;
	_ =	sdelay $0x1  }
0x21: {  	s15 =	smul.u32 @!p1 $0x38, s15  }
0x22: {  	s16 =	sxor.u32 @!p1 $0xFFFFFFFF, s11;
	s17 =	smul.u32 @!p1 $0x380, s10  }
0x23: {  	s31 =	sadd.s32 $0xFFFFFFFF, s11;
	s16 =	sshll.u32 @!p1 s16, $0xD;
	s14 =	ssub.s32 @!p1 s14, s15  }
0x24: {  	s15 =	sand.u32 @!p1 $0x2000, s16;
	s16 =	sadd.s32 @!p1 s6, s17;
	s14 =	sshll.u32 @!p1 s14, $0x4  }
0x25: {  	s17 =	simm.s32 @!p1 $0x1C00;
	s14 =	sadd.s32 @!p1 s14, s16;
	s16 =	simm.s32 @!p1 $0x40  }
0x26: {  	[tilespmem:s15], [sflag:$0x1] =	stream.strided.gather @!p1 [hbm4b:s14+s16], $0x2000, s17, s16, $0x38;
	[tilespmem:$0x8080] =	vst v63  }
0x27: {  	p1 =	sge.u32 s31, s5  }
.Ltmp2:
0x28: {  	_ = 	snop;
	(pc) =	sbr.rel @p1 .LBB1_5-.Ltmp2, $1  }
0x29: {  	_ =	sdelay $0x3  }
0x2a: {  	s14 =	simm.s32 $0x1  }
0x2b: {  	_ =	swait.ge [sflag:s4], $0x2000;
	s14 =	simm.s32 @!p0 $0x0  }
0x2c: {  	[sflag:s4] =	ssyncset.done $0x0;
	s15 =	sshll.u32 s14, $0xD  }
0x2d: {  	[sflag:s4] =	ssyncadd.s32 $0xFFFFE000;
	s18 =	sor.u32 $0x20, s15  }
0x2e: {  	s14 =	smul.u32 $0x8100, s14;
	v3 =	vld [tilespmem:s18+$0x10]  }
0x2f: {  	s30 =	sand.u32 $0x1, s11;
	v2 =	vld [tilespmem:s18+$0xFFFFFFF0]  }
0x30: {  	s15 =	smul.u32 $0x8100, s30;
	s14 =	sshrl.u32 s14, $0x2;
	v0 =	vld [tilespmem:s18+$0x0]  }
0x31: {  	v1 =	vld [tilespmem:s18+$0xFFFFFFE0];
	s16 =	sor.u32 $0x4000, s14  }
0x32: {  	s31 =	sshrl.u32 s15, $0x2;
	s15 =	sadd.s32 $0x0, s16  }
0x33: {  	s17 =	simm.s32 $0x4;
	s18 =	sadd.s32 $0x40, s18;
	s14 =	sor.u32 $0x4000, s31;
	[tilespmem:s15+$0x1830 ss:$0x81] =	vst.msk $0xffff, v3  }
.LBB1_3:
0x34: {  	v3 =	vld [tilespmem:s18+$0x10];
	p1 =	sne.s32 s17, $0x1FC;
	[tilespmem:s15+$0x810 ss:$0x81] =	vst.msk $0xffff, v2;
	s19 =	smov.u32 s17;
	s17 =	sadd.s32 $0x4, s17  }
.Ltmp3:
0x35: {  	v2 =	vld [tilespmem:s18+$0xFFFFFFF0];
	[tilespmem:s15+$0x1020 ss:$0x81] =	vst.msk $0xffff, v0;
	(pc) =	sbr.rel @p1 .LBB1_3-.Ltmp3, $4  }
0x36: {  	v0 =	vld [tilespmem:s18+$0x0];
	[tilespmem:s15+$0x0 ss:$0x81] =	vst.msk $0xffff, v1  }
0x37: {  	s15 =	sshra.s32 s19, $0x2;
	v1 =	vld [tilespmem:s18+$0xFFFFFFE0]  }
0x38: {  	s15 =	sadd.s32 s15, s16  }
0x39: {  	s18 =	sadd.s32 $0x40, s18;
	[tilespmem:s15+$0x1830 ss:$0x81] =	vst.msk $0xffff, v3  }
.Ltmp4:
0x3a: {  	_ = 	snop;
	(pc) =	sbr.rel .LBB1_4-.Ltmp4, $1  }
0x3b: {  	_ =	sdelay $0x3  }
.LBB1_6:
0x3c: {  	_ =	sfence.sel $0x180000  }
0x3d: {  	s2 =	simm.s32 $0x1;
	[bflag:$0x0] =	sbarrier.arrive $0xFFFF  }
0x3e: {  	s31 =	simm.s32 $0x2;
	[sflag:s2] =	ssyncpa.u1 $0x1  }
0x3f: {  	[sflag:s31] =	ssyncpa.u1 $0x1  }
0x40: {  	p0 =	sne.s32 s0, $0x0;
	_ =	strace $0x9000004A  }
0x41: {  	s0 =	sadd.s32 @!p0 $0x100000, s1;
	[bflag:$0x2] =	sbarrier.arrive $0xFFFF  }
0x42: {  	[sflag:s0] =	ssyncadd.tile.s32 @!p0 $0x1;
	_ =	shalt  }
.Lfunc_end1:
_tile_overlayer_lowered:
.L_overlay_start_2:
0x43: {  	(tag) =	ssettag $0x2  }
0x44: {  	s0 =	rddreg [dreg:$0x0];
	s2 =	stileid.u32  }
0x45: {  	s1 =	rddreg [dreg:$0x1];
	p0 =	sne.s32 s2, $0x0  }
0x46: {  	s3 =	rddreg [dreg:$0x2];
	[bflag:$0x3] =	sbarrier.arrive $0xFFFF;
	s2 =	simm.s32 @!p0 $0x1C01  }
0x47: {  	[timem:s3], [sflag:s2] =	dma.local @!p0 [hbm:s0], s1  }
0x48: {  	s0 =	simm.s32 @!p0 $0x1  }
0x49: {  	_ =	swait.ge @!p0 [sflag:s0], s1  }
0x4a: {  	s1 =	ssub.s32 @!p0 $0x0, s1;
	[sflag:s0] =	ssyncset.done @!p0 $0x0  }
0x4b: {  	[sflag:s0] =	ssyncadd.s32 @!p0 s1  }
0x4c: {  	[bflag:$0x3] =	sbarrier.arrive $0xFFFF  }
0x4d: {  	_ =	shalt  }

</sc_bundles>
